<compile_context>
chip_gen: v7x
topology: tpu7x:2x2x1
jax: 0.10.2.dev20260603
libtpu: 0.0.44.dev20260713+nightly
codegen_flags: <defaults>
</compile_context>

<pallas_src>
import functools

import jax
import jax.numpy as jnp
from jax import lax
from jax.experimental import pallas as pl
from jax.experimental.pallas import tpu as pltpu
from jax.experimental.pallas import tpu_sc as plsc

N = 10000
E = 320000
H = 128
C = 2

NC = 2
NS = 16
NW = NC * NS
K = 128
G = 80
EPAD = NW * G * K
NPAD = 10240
RB = 1024
GRID = NPAD // RB
RPW = NPAD // NS
EPS = 1e-5

_mesh = plsc.VectorSubcoreMesh(core_axis_name="c", subcore_axis_name="s")



DW = 128

@functools.partial(
    pl.kernel,
    out_type=jax.ShapeDtypeStruct((NC, NPAD, DW), jnp.float32),
    mesh=_mesh,
    scratch_types=[
        pltpu.VMEM((K,), jnp.int32),
        pltpu.VMEM((K, DW), jnp.float32),
        pltpu.VMEM_SHARED((NPAD, DW), jnp.float32),
    ],
)
def _sc_deg(dsts, ones_hbm, zeros_hbm, deg_out, didx, ones_v, acc):
    c = lax.axis_index("c")
    s = lax.axis_index("s")
    wid = c * NS + s
    r0 = s * RPW
    pltpu.sync_copy(ones_hbm, ones_v)
    pltpu.sync_copy(zeros_hbm, acc.at[pl.ds(r0, RPW), :])
    plsc.subcore_barrier()

    def body(g, carry):
        pltpu.sync_copy(dsts.at[wid, g], didx)
        pltpu.sync_copy(ones_v, acc.at[didx], add=True)
        return carry

    lax.fori_loop(0, G, body, 0)
    plsc.subcore_barrier()
    pltpu.sync_copy(acc.at[pl.ds(r0, RPW), :], deg_out.at[c, pl.ds(r0, RPW), :])



@functools.partial(
    pl.kernel,
    out_type=jax.ShapeDtypeStruct((NC, NPAD, H), jnp.float32),
    mesh=_mesh,
    scratch_types=[
        pltpu.VMEM((K,), jnp.int32),
        pltpu.VMEM((K,), jnp.int32),
        pltpu.VMEM((K,), jnp.int32),
        pltpu.VMEM((K,), jnp.int32),
        pltpu.VMEM((K, H), jnp.float32),
        pltpu.VMEM((K, H), jnp.float32),
        pltpu.SemaphoreType.DMA,
        pltpu.SemaphoreType.DMA,
        pltpu.SemaphoreType.DMA,
        pltpu.SemaphoreType.DMA,
        pltpu.VMEM_SHARED((NPAD, H), jnp.float32),
    ],
)
def _sc_scatter(q, srcs, dsts, out, sidx0, sidx1, didx0, didx1,
                rows0, rows1, gsem0, gsem1, isem0, isem1, acc):
    c = lax.axis_index("c")
    s = lax.axis_index("s")
    wid = c * NS + s
    r0 = s * RPW
    pltpu.sync_copy(q.at[pl.ds(r0, RPW), :], acc.at[pl.ds(r0, RPW), :])
    plsc.subcore_barrier()

    def _slot_prime(g, sidx, didx, rows, gsem, isem):
        pltpu.async_copy(srcs.at[wid, g], sidx, isem).wait()
        pltpu.async_copy(dsts.at[wid, g], didx, isem)
        pltpu.async_copy(q.at[sidx], rows, gsem)

    _slot_prime(0, sidx0, didx0, rows0, gsem0, isem0)
    _slot_prime(1, sidx1, didx1, rows1, gsem1, isem1)

    def _slot_step(g, sidx, didx, rows, gsem, isem):
        pltpu.make_async_copy(q.at[sidx], rows, gsem).wait()
        pltpu.make_async_copy(dsts.at[wid, g], didx, isem).wait()

        @pl.when(g + 2 < G)
        def _():
            pltpu.async_copy(srcs.at[wid, g + 2], sidx, isem)

        pltpu.sync_copy(rows, acc.at[didx], add=True)

        @pl.when(g + 2 < G)
        def _():
            pltpu.make_async_copy(srcs.at[wid, g + 2], sidx, isem).wait()
            pltpu.async_copy(dsts.at[wid, g + 2], didx, isem)
            pltpu.async_copy(q.at[sidx], rows, gsem)

    def body(t, carry):
        g = 2 * t
        _slot_step(g, sidx0, didx0, rows0, gsem0, isem0)
        _slot_step(g + 1, sidx1, didx1, rows1, gsem1, isem1)
        return carry

    lax.fori_loop(0, G // 2, body, 0)
    plsc.subcore_barrier()
    pltpu.sync_copy(acc.at[pl.ds(r0, RPW), :], out.at[c, pl.ds(r0, RPW), :])



def _dinv_block(degp):
    return 1.0 / jnp.sqrt(1.0 + degp[0] + degp[1])


def _tc0_body(x_ref, w_ref, degp_ref, o_ref):
    dinv = _dinv_block(degp_ref[...])
    o_ref[...] = dinv * jnp.dot(x_ref[...], w_ref[...],
                                preferred_element_type=jnp.float32)


def _ln_relu(p, q, degp, b, g, be):
    dinv = _dinv_block(degp)
    t = dinv * (p[0] + p[1] - q) + b
    m = jnp.mean(t, axis=-1, keepdims=True)
    v = jnp.mean((t - m) ** 2, axis=-1, keepdims=True)
    y = (t - m) / jnp.sqrt(v + EPS) * g + be
    return jnp.maximum(y, 0.0)


def _epi_body(p_ref, q_ref, degp_ref, b_ref, g_ref, be_ref, w_ref, o_ref):
    h = _ln_relu(p_ref[...], q_ref[...], degp_ref[...],
                 b_ref[...], g_ref[...], be_ref[...])
    dinv = _dinv_block(degp_ref[...])
    o_ref[...] = dinv * jnp.dot(h, w_ref[...],
                                preferred_element_type=jnp.float32)


def _fin_body(p_ref, q_ref, degp_ref, b_ref, g_ref, be_ref,
              wc1_ref, bc1_ref, wc2_ref, bc2_ref, o_ref):
    h = _ln_relu(p_ref[...], q_ref[...], degp_ref[...],
                 b_ref[...], g_ref[...], be_ref[...])
    z = jnp.maximum(jnp.dot(h, wc1_ref[...],
                            preferred_element_type=jnp.float32) + bc1_ref[...],
                    0.0)
    o_ref[...] = jnp.dot(z, wc2_ref[...],
                         preferred_element_type=jnp.float32) + bc2_ref[...]


_rows = pl.BlockSpec((RB, H), lambda i: (i, 0))
_degp_spec = pl.BlockSpec((NC, RB, 1), lambda i: (0, i, 0))
_p_spec = pl.BlockSpec((NC, RB, H), lambda i: (0, i, 0))


def _full(shape):
    return pl.BlockSpec(shape, lambda i: tuple(0 for _ in shape))


def _tc0(xp, W, degp):
    return pl.pallas_call(
        _tc0_body,
        grid=(GRID,),
        in_specs=[_rows, _full((H, H)), _degp_spec],
        out_specs=_rows,
        out_shape=jax.ShapeDtypeStruct((NPAD, H), jnp.float32),
    )(xp, W, degp)


def _tc_epi(p, q, degp, b, g, be, Wn):
    return pl.pallas_call(
        _epi_body,
        grid=(GRID,),
        in_specs=[_p_spec, _rows, _degp_spec,
                  _full((1, H)), _full((1, H)), _full((1, H)), _full((H, H))],
        out_specs=_rows,
        out_shape=jax.ShapeDtypeStruct((NPAD, H), jnp.float32),
    )(p, q, degp, b, g, be, Wn)


def _tc_fin(p, q, degp, b, g, be, Wc1, bc1, Wc2p, bc2p):
    return pl.pallas_call(
        _fin_body,
        grid=(GRID,),
        in_specs=[_p_spec, _rows, _degp_spec,
                  _full((1, H)), _full((1, H)), _full((1, H)),
                  _full((H, H // 2)), _full((1, H // 2)),
                  _full((H // 2, H)), _full((1, H))],
        out_specs=_rows,
        out_shape=jax.ShapeDtypeStruct((NPAD, H), jnp.float32),
    )(p, q, degp, b, g, be, Wc1, bc1, Wc2p, bc2p)


def kernel(x, edge_index, W0, b0, g0, be0, W1, b1, g1, be1,
           W2, b2, g2, be2, Wc1, bc1, Wc2, bc2):
    f32 = jnp.float32
    pad = EPAD - E
    srcs = jnp.concatenate(
        [edge_index[0], jnp.zeros((pad,), jnp.int32)]).reshape(NW, G, K)
    pad_dst = N + (jnp.arange(pad, dtype=jnp.int32) % (NPAD - N))
    dsts = jnp.concatenate([edge_index[1], pad_dst]).reshape(NW, G, K)
    xp = jnp.pad(x, ((0, NPAD - N), (0, 0)))
    ones_col = jnp.ones((K, DW), f32)
    zeros_col = jnp.zeros((RPW, DW), f32)

    degp = _sc_deg(dsts, ones_col, zeros_col)[:, :, :1]

    q0 = _tc0(xp, W0, degp)
    p0 = _sc_scatter(q0, srcs, dsts)
    q1 = _tc_epi(p0, q0, degp, b0.reshape(1, H), g0.reshape(1, H),
                 be0.reshape(1, H), W1)
    p1 = _sc_scatter(q1, srcs, dsts)
    q2 = _tc_epi(p1, q1, degp, b1.reshape(1, H), g1.reshape(1, H),
                 be1.reshape(1, H), W2)
    p2 = _sc_scatter(q2, srcs, dsts)

    Wc2p = jnp.pad(Wc2, ((0, 0), (0, H - C)))
    bc2p = jnp.pad(bc2, (0, H - C)).reshape(1, H)
    out = _tc_fin(p2, q2, degp, b2.reshape(1, H), g2.reshape(1, H),
                  be2.reshape(1, H), Wc1, bc1.reshape(1, H // 2), Wc2p, bc2p)
    return out[:N, :C]

# --- scband reference (transcript-rebuilt; emitter-appended) ---
"""Pipeline reference for scband-gcnpathogenicity-model-87428354277656 (READ-ONLY COPY).

The authoritative reference and input builder live on the scoring server;
editing this copy changes nothing except your own understanding.
"""

import jax, jax.numpy as jnp
import numpy as np

N = 10000
E = 320000
D_IN = 128
H = 128
C = 2


def layer_norm(x, g, b, eps=1e-5):
    m = jnp.mean(x, axis=-1, keepdims=True)
    v = jnp.var(x, axis=-1, keepdims=True)
    return (x - m) / jnp.sqrt(v + eps) * g + b


def gcn_conv(x, edge_index, W, b):
    # PyG-style GCNConv: add self-loops, symmetric normalization D^-1/2 A_hat D^-1/2 (x W) + b
    n = x.shape[0]
    loop = jnp.arange(n, dtype=edge_index.dtype)
    src = jnp.concatenate([edge_index[0], loop])
    dst = jnp.concatenate([edge_index[1], loop])
    deg = jnp.zeros((n,), dtype=x.dtype).at[dst].add(1.0)
    dinv = jnp.where(deg > 0, deg ** -0.5, 0.0)
    norm = dinv[src] * dinv[dst]
    h = x @ W
    msg = h[src] * norm[:, None]
    out = jax.ops.segment_sum(msg, dst, num_segments=n)
    return out + b


def setup_inputs(seed: int = 0):
    key = jax.random.key(seed)
    ks = jax.random.split(key, 24)
    ki = iter(ks)
    inp = {}
    inp["x"] = jax.random.normal(next(ki), (N, D_IN), dtype=jnp.float32)
    inp["edge_index"] = jax.random.randint(next(ki), (2, E), 0, N, dtype=jnp.int32)
    dims = [D_IN, H, H, H]
    for i in range(3):
        inp[f"W{i}"] = jax.random.normal(next(ki), (dims[i], dims[i + 1]), dtype=jnp.float32) * (1.0 / np.sqrt(dims[i]))
        inp[f"b{i}"] = jnp.zeros((dims[i + 1],), dtype=jnp.float32)
        inp[f"g{i}"] = jnp.ones((dims[i + 1],), dtype=jnp.float32)
        inp[f"be{i}"] = jnp.zeros((dims[i + 1],), dtype=jnp.float32)
    inp["Wc1"] = jax.random.normal(next(ki), (H, H // 2), dtype=jnp.float32) * (1.0 / np.sqrt(H))
    inp["bc1"] = jnp.zeros((H // 2,), dtype=jnp.float32)
    inp["Wc2"] = jax.random.normal(next(ki), (H // 2, C), dtype=jnp.float32) * (1.0 / np.sqrt(H // 2))
    inp["bc2"] = jnp.zeros((C,), dtype=jnp.float32)
    return inp


def reference(x, edge_index, W0, b0, g0, be0, W1, b1, g1, be1, W2, b2, g2, be2, Wc1, bc1, Wc2, bc2):
    layers = [(W0, b0, g0, be0), (W1, b1, g1, be1), (W2, b2, g2, be2)]
    h = x
    for W, b, g, be in layers:
        h = gcn_conv(h, edge_index, W, b)
        h = layer_norm(h, g, be)
        h = jax.nn.relu(h)
        # dropout is identity in eval mode
    h = h @ Wc1 + bc1
    h = jax.nn.relu(h)
    return h @ Wc2 + bc2

if __name__ == "__main__":
    import jax
    _d = setup_inputs()
    print(jax.jit(kernel)(*tuple(_d.values())))

</pallas_src>

<mosaic_0001>
#map = affine_map<(d0, d1) -> (0, 0, 0)>
#map1 = affine_map<(d0, d1) -> (0, 0)>
module attributes {stable_mosaic.version = 14 : i64} {
  func.func @_sc_deg(%arg0: i32, %arg1: i32, %arg2: memref<32x80x128xi32, #tpu.memory_space<hbm>>, %arg3: memref<128x128xf32, #tpu.memory_space<hbm>>, %arg4: memref<640x128xf32, #tpu.memory_space<hbm>>, %arg5: memref<2x10240x128xf32, #tpu.memory_space<hbm>>, %arg6: memref<128xi32, #tpu.memory_space<vmem>>, %arg7: memref<128x128xf32, #tpu.memory_space<vmem>>, %arg8: memref<10240x128xf32, #tpu.memory_space<vmem_shared>>) attributes {dimension_semantics = [#tpu.dimension_semantics<core_parallel>, #tpu.dimension_semantics<subcore_parallel>], iteration_bounds = array<i64: 2, 16>, scalar_prefetch = 0 : i64, scratch_operands = 3 : i64, tpu.core_type = #tpu.core_type<sc_vector_subcore>, window_params = [{transform_indices = #map}, {transform_indices = #map1}, {transform_indices = #map1}, {transform_indices = #map}]} {
    %mul3A = arith.constant 16 : i32
    %mul3A_0 = arith.muli %arg0, %mul3A : i32
    %add3A = arith.addi %mul3A_0, %arg1 : i32
    %mul3A_1 = arith.constant 640 : i32
    %mul3A_2 = arith.muli %arg1, %mul3A_1 : i32
    "tpu.region"() ({
      %run_scoped3A = tpu.sem_alloc : memref<!tpu.dma_semaphore, #tpu.memory_space<semaphore_mem>>
      tpu.enqueue_dma source(%arg3 : memref<128x128xf32, #tpu.memory_space<hbm>>) target(%arg7 : memref<128x128xf32, #tpu.memory_space<vmem>>) target_semaphore(%run_scoped3A : memref<!tpu.dma_semaphore, #tpu.memory_space<semaphore_mem>>)
      tpu.wait_dma2 semaphore(%run_scoped3A : memref<!tpu.dma_semaphore, #tpu.memory_space<semaphore_mem>>) src(%arg3 : memref<128x128xf32, #tpu.memory_space<hbm>>) dst(%arg7 : memref<128x128xf32, #tpu.memory_space<vmem>>)
      tpu.yield
    }) : () -> ()
    "tpu.region"() ({
      %run_scoped3A = tpu.sem_alloc : memref<!tpu.dma_semaphore, #tpu.memory_space<semaphore_mem>>
      %dma_start3A = arith.constant 0 : i32
      %dma_start3A_9 = tpu.memref_slice %arg8[%mul3A_2, %dma_start3A] : memref<10240x128xf32, #tpu.memory_space<vmem_shared>> -> memref<640x128xf32, #tpu.memory_space<vmem_shared>>
      tpu.enqueue_dma source(%arg4 : memref<640x128xf32, #tpu.memory_space<hbm>>) target(%dma_start3A_9 : memref<640x128xf32, #tpu.memory_space<vmem_shared>>) target_semaphore(%run_scoped3A : memref<!tpu.dma_semaphore, #tpu.memory_space<semaphore_mem>>)
      %dma_wait3A = arith.constant 0 : i32
      %dma_wait3A_10 = tpu.memref_slice %arg8[%mul3A_2, %dma_wait3A] : memref<10240x128xf32, #tpu.memory_space<vmem_shared>> -> memref<640x128xf32, #tpu.memory_space<vmem_shared>>
      tpu.wait_dma2 semaphore(%run_scoped3A : memref<!tpu.dma_semaphore, #tpu.memory_space<semaphore_mem>>) src(%arg4 : memref<640x128xf32, #tpu.memory_space<hbm>>) dst(%dma_wait3A_10 : memref<640x128xf32, #tpu.memory_space<vmem_shared>>)
      tpu.yield
    }) : () -> ()
    %barrier3A = arith.constant 0 : index
    tpu.barrier barrier_id(%barrier3A)
    %scan3A = arith.constant 0 : i32
    %scan3A_3 = arith.constant 0 : i32
    %scan3A_4 = arith.constant 80 : i32
    %scan3A_5 = arith.addi %scan3A_3, %scan3A_4 : i32
    %scan3A_6 = arith.constant 1 : i32
    scf.for %scan3A_9 = %scan3A_3 to %scan3A_5 step %scan3A_6  : i32 {
      "tpu.region"() ({
        %run_scoped3A = tpu.sem_alloc : memref<!tpu.dma_semaphore, #tpu.memory_space<semaphore_mem>>
        %dma_start3A = arith.constant 0 : i32
        %dma_start3A_10 = tpu.memref_slice %arg2[%add3A, %scan3A_9, %dma_start3A] : memref<32x80x128xi32, #tpu.memory_space<hbm>> -> memref<1x1x128xi32, #tpu.memory_space<hbm>>
        %dma_start3A_11 = tpu.memref_squeeze %dma_start3A_10 : memref<1x1x128xi32, #tpu.memory_space<hbm>> -> memref<128xi32, #tpu.memory_space<hbm>>
        %dma_start3A_12 = arith.constant 0 : i32
        %dma_start3A_13 = tpu.memref_slice %arg2[%add3A, %scan3A_9, %dma_start3A_12] : memref<32x80x128xi32, #tpu.memory_space<hbm>> -> memref<1x1x128xi32, #tpu.memory_space<hbm>>
        %dma_start3A_14 = tpu.memref_squeeze %dma_start3A_13 : memref<1x1x128xi32, #tpu.memory_space<hbm>> -> memref<128xi32, #tpu.memory_space<hbm>>
        tpu.enqueue_dma source(%dma_start3A_14 : memref<128xi32, #tpu.memory_space<hbm>>) target(%arg6 : memref<128xi32, #tpu.memory_space<vmem>>) target_semaphore(%run_scoped3A : memref<!tpu.dma_semaphore, #tpu.memory_space<semaphore_mem>>)
        %dma_wait3A = arith.constant 0 : i32
        %dma_wait3A_15 = tpu.memref_slice %arg2[%add3A, %scan3A_9, %dma_wait3A] : memref<32x80x128xi32, #tpu.memory_space<hbm>> -> memref<1x1x128xi32, #tpu.memory_space<hbm>>
        %dma_wait3A_16 = tpu.memref_squeeze %dma_wait3A_15 : memref<1x1x128xi32, #tpu.memory_space<hbm>> -> memref<128xi32, #tpu.memory_space<hbm>>
        %dma_wait3A_17 = arith.constant 0 : i32
        %dma_wait3A_18 = tpu.memref_slice %arg2[%add3A, %scan3A_9, %dma_wait3A_17] : memref<32x80x128xi32, #tpu.memory_space<hbm>> -> memref<1x1x128xi32, #tpu.memory_space<hbm>>
        %dma_wait3A_19 = tpu.memref_squeeze %dma_wait3A_18 : memref<1x1x128xi32, #tpu.memory_space<hbm>> -> memref<128xi32, #tpu.memory_space<hbm>>
        tpu.wait_dma2 semaphore(%run_scoped3A : memref<!tpu.dma_semaphore, #tpu.memory_space<semaphore_mem>>) src(%dma_wait3A_19 : memref<128xi32, #tpu.memory_space<hbm>>) dst(%arg6 : memref<128xi32, #tpu.memory_space<vmem>>)
        tpu.yield
      }) : () -> ()
      "tpu.region"() ({
        %run_scoped3A = tpu.sem_alloc : memref<!tpu.dma_semaphore, #tpu.memory_space<semaphore_mem>>
        %dma_start3A = arith.constant 0 : i32
        %dma_start3A_10 = arith.constant 0 : i32
        %dma_start3A_11 = tpu.memref_slice %arg8[%dma_start3A, %dma_start3A_10] : memref<10240x128xf32, #tpu.memory_space<vmem_shared>> -> memref<10240x128xf32, #tpu.memory_space<vmem_shared>>
        tpu.enqueue_indirect_dma source(%arg7 : memref<128x128xf32, #tpu.memory_space<vmem>>) target(%dma_start3A_11 : memref<10240x128xf32, #tpu.memory_space<vmem_shared>>) offsets(%arg6 : memref<128xi32, #tpu.memory_space<vmem>>) semaphore(%run_scoped3A : memref<!tpu.dma_semaphore, #tpu.memory_space<semaphore_mem>>) {add = true}
        %dma_wait3A = arith.constant 0 : i32
        %dma_wait3A_12 = arith.constant 0 : i32
        %dma_wait3A_13 = tpu.memref_slice %arg8[%dma_wait3A, %dma_wait3A_12] : memref<10240x128xf32, #tpu.memory_space<vmem_shared>> -> memref<10240x128xf32, #tpu.memory_space<vmem_shared>>
        tpu.wait_indirect_dma semaphore(%run_scoped3A : memref<!tpu.dma_semaphore, #tpu.memory_space<semaphore_mem>>) src(%arg7 : memref<128x128xf32, #tpu.memory_space<vmem>>) dst(%dma_wait3A_13 : memref<10240x128xf32, #tpu.memory_space<vmem_shared>>)
        tpu.yield
      }) : () -> ()
    }
    %scan3A_7 = arith.constant 80 : i32
    %barrier3A_8 = arith.constant 0 : index
    tpu.barrier barrier_id(%barrier3A_8)
    "tpu.region"() ({
      %run_scoped3A = tpu.sem_alloc : memref<!tpu.dma_semaphore, #tpu.memory_space<semaphore_mem>>
      %dma_start3A = arith.constant 0 : i32
      %dma_start3A_9 = tpu.memref_slice %arg5[%arg0, %mul3A_2, %dma_start3A] : memref<2x10240x128xf32, #tpu.memory_space<hbm>> -> memref<1x640x128xf32, #tpu.memory_space<hbm>>
      %dma_start3A_10 = tpu.memref_squeeze %dma_start3A_9 : memref<1x640x128xf32, #tpu.memory_space<hbm>> -> memref<640x128xf32, #tpu.memory_space<hbm>>
      %dma_start3A_11 = arith.constant 0 : i32
      %dma_start3A_12 = tpu.memref_slice %arg8[%mul3A_2, %dma_start3A_11] : memref<10240x128xf32, #tpu.memory_space<vmem_shared>> -> memref<640x128xf32, #tpu.memory_space<vmem_shared>>
      tpu.enqueue_dma source(%dma_start3A_12 : memref<640x128xf32, #tpu.memory_space<vmem_shared>>) target(%dma_start3A_10 : memref<640x128xf32, #tpu.memory_space<hbm>>) target_semaphore(%run_scoped3A : memref<!tpu.dma_semaphore, #tpu.memory_space<semaphore_mem>>)
      %dma_wait3A = arith.constant 0 : i32
      %dma_wait3A_13 = tpu.memref_slice %arg5[%arg0, %mul3A_2, %dma_wait3A] : memref<2x10240x128xf32, #tpu.memory_space<hbm>> -> memref<1x640x128xf32, #tpu.memory_space<hbm>>
      %dma_wait3A_14 = tpu.memref_squeeze %dma_wait3A_13 : memref<1x640x128xf32, #tpu.memory_space<hbm>> -> memref<640x128xf32, #tpu.memory_space<hbm>>
      %dma_wait3A_15 = arith.constant 0 : i32
      %dma_wait3A_16 = tpu.memref_slice %arg8[%mul3A_2, %dma_wait3A_15] : memref<10240x128xf32, #tpu.memory_space<vmem_shared>> -> memref<640x128xf32, #tpu.memory_space<vmem_shared>>
      tpu.wait_dma2 semaphore(%run_scoped3A : memref<!tpu.dma_semaphore, #tpu.memory_space<semaphore_mem>>) src(%dma_wait3A_16 : memref<640x128xf32, #tpu.memory_space<vmem_shared>>) dst(%dma_wait3A_14 : memref<640x128xf32, #tpu.memory_space<hbm>>)
      tpu.yield
    }) : () -> ()
    return
  }
}

#map = affine_map<(d0, d1) -> (0, 0)>
#map1 = affine_map<(d0, d1) -> (0, 0, 0)>
module attributes {stable_mosaic.version = 14 : i64} {
  func.func @_sc_scatter(%arg0: i32, %arg1: i32, %arg2: memref<10240x128xf32, #tpu.memory_space<hbm>>, %arg3: memref<32x80x128xi32, #tpu.memory_space<hbm>>, %arg4: memref<32x80x128xi32, #tpu.memory_space<hbm>>, %arg5: memref<2x10240x128xf32, #tpu.memory_space<hbm>>, %arg6: memref<128xi32, #tpu.memory_space<vmem>>, %arg7: memref<128xi32, #tpu.memory_space<vmem>>, %arg8: memref<128xi32, #tpu.memory_space<vmem>>, %arg9: memref<128xi32, #tpu.memory_space<vmem>>, %arg10: memref<128x128xf32, #tpu.memory_space<vmem>>, %arg11: memref<128x128xf32, #tpu.memory_space<vmem>>, %arg12: memref<!tpu.dma_semaphore, #tpu.memory_space<semaphore_mem>>, %arg13: memref<!tpu.dma_semaphore, #tpu.memory_space<semaphore_mem>>, %arg14: memref<!tpu.dma_semaphore, #tpu.memory_space<semaphore_mem>>, %arg15: memref<!tpu.dma_semaphore, #tpu.memory_space<semaphore_mem>>, %arg16: memref<10240x128xf32, #tpu.memory_space<vmem_shared>>) attributes {dimension_semantics = [#tpu.dimension_semantics<core_parallel>, #tpu.dimension_semantics<subcore_parallel>], iteration_bounds = array<i64: 2, 16>, scalar_prefetch = 0 : i64, scratch_operands = 11 : i64, tpu.core_type = #tpu.core_type<sc_vector_subcore>, window_params = [{transform_indices = #map}, {transform_indices = #map1}, {transform_indices = #map1}, {transform_indices = #map1}]} {
    %mul3A = arith.constant 16 : i32
    %mul3A_0 = arith.muli %arg0, %mul3A : i32
    %add3A = arith.addi %mul3A_0, %arg1 : i32
    %mul3A_1 = arith.constant 640 : i32
    %mul3A_2 = arith.muli %arg1, %mul3A_1 : i32
    "tpu.region"() ({
      %run_scoped3A = tpu.sem_alloc : memref<!tpu.dma_semaphore, #tpu.memory_space<semaphore_mem>>
      %dma_start3A_55 = arith.constant 0 : i32
      %dma_start3A_56 = tpu.memref_slice %arg16[%mul3A_2, %dma_start3A_55] : memref<10240x128xf32, #tpu.memory_space<vmem_shared>> -> memref<640x128xf32, #tpu.memory_space<vmem_shared>>
      %dma_start3A_57 = arith.constant 0 : i32
      %dma_start3A_58 = tpu.memref_slice %arg2[%mul3A_2, %dma_start3A_57] : memref<10240x128xf32, #tpu.memory_space<hbm>> -> memref<640x128xf32, #tpu.memory_space<hbm>>
      tpu.enqueue_dma source(%dma_start3A_58 : memref<640x128xf32, #tpu.memory_space<hbm>>) target(%dma_start3A_56 : memref<640x128xf32, #tpu.memory_space<vmem_shared>>) target_semaphore(%run_scoped3A : memref<!tpu.dma_semaphore, #tpu.memory_space<semaphore_mem>>)
      %dma_wait3A_59 = arith.constant 0 : i32
      %dma_wait3A_60 = tpu.memref_slice %arg16[%mul3A_2, %dma_wait3A_59] : memref<10240x128xf32, #tpu.memory_space<vmem_shared>> -> memref<640x128xf32, #tpu.memory_space<vmem_shared>>
      %dma_wait3A_61 = arith.constant 0 : i32
      %dma_wait3A_62 = tpu.memref_slice %arg2[%mul3A_2, %dma_wait3A_61] : memref<10240x128xf32, #tpu.memory_space<hbm>> -> memref<640x128xf32, #tpu.memory_space<hbm>>
      tpu.wait_dma2 semaphore(%run_scoped3A : memref<!tpu.dma_semaphore, #tpu.memory_space<semaphore_mem>>) src(%dma_wait3A_62 : memref<640x128xf32, #tpu.memory_space<hbm>>) dst(%dma_wait3A_60 : memref<640x128xf32, #tpu.memory_space<vmem_shared>>)
      tpu.yield
    }) : () -> ()
    %barrier3A = arith.constant 0 : index
    tpu.barrier barrier_id(%barrier3A)
    %dma_start3A = arith.constant 0 : i32
    %dma_start3A_3 = arith.constant 0 : i32
    %dma_start3A_4 = tpu.memref_slice %arg3[%add3A, %dma_start3A, %dma_start3A_3] : memref<32x80x128xi32, #tpu.memory_space<hbm>> -> memref<1x1x128xi32, #tpu.memory_space<hbm>>
    %dma_start3A_5 = tpu.memref_squeeze %dma_start3A_4 : memref<1x1x128xi32, #tpu.memory_space<hbm>> -> memref<128xi32, #tpu.memory_space<hbm>>
    %dma_start3A_6 = arith.constant 0 : i32
    %dma_start3A_7 = tpu.memref_slice %arg3[%add3A, %dma_start3A, %dma_start3A_6] : memref<32x80x128xi32, #tpu.memory_space<hbm>> -> memref<1x1x128xi32, #tpu.memory_space<hbm>>
    %dma_start3A_8 = tpu.memref_squeeze %dma_start3A_7 : memref<1x1x128xi32, #tpu.memory_space<hbm>> -> memref<128xi32, #tpu.memory_space<hbm>>
    tpu.enqueue_dma source(%dma_start3A_8 : memref<128xi32, #tpu.memory_space<hbm>>) target(%arg6 : memref<128xi32, #tpu.memory_space<vmem>>) target_semaphore(%arg14 : memref<!tpu.dma_semaphore, #tpu.memory_space<semaphore_mem>>)
    %dma_wait3A = arith.constant 0 : i32
    %dma_wait3A_9 = arith.constant 0 : i32
    %dma_wait3A_10 = tpu.memref_slice %arg3[%add3A, %dma_wait3A, %dma_wait3A_9] : memref<32x80x128xi32, #tpu.memory_space<hbm>> -> memref<1x1x128xi32, #tpu.memory_space<hbm>>
    %dma_wait3A_11 = tpu.memref_squeeze %dma_wait3A_10 : memref<1x1x128xi32, #tpu.memory_space<hbm>> -> memref<128xi32, #tpu.memory_space<hbm>>
    %dma_wait3A_12 = arith.constant 0 : i32
    %dma_wait3A_13 = tpu.memref_slice %arg3[%add3A, %dma_wait3A, %dma_wait3A_12] : memref<32x80x128xi32, #tpu.memory_space<hbm>> -> memref<1x1x128xi32, #tpu.memory_space<hbm>>
    %dma_wait3A_14 = tpu.memref_squeeze %dma_wait3A_13 : memref<1x1x128xi32, #tpu.memory_space<hbm>> -> memref<128xi32, #tpu.memory_space<hbm>>
    tpu.wait_dma2 semaphore(%arg14 : memref<!tpu.dma_semaphore, #tpu.memory_space<semaphore_mem>>) src(%dma_wait3A_14 : memref<128xi32, #tpu.memory_space<hbm>>) dst(%arg6 : memref<128xi32, #tpu.memory_space<vmem>>)
    %dma_start3A_15 = arith.constant 0 : i32
    %dma_start3A_16 = arith.constant 0 : i32
    %dma_start3A_17 = tpu.memref_slice %arg4[%add3A, %dma_start3A_15, %dma_start3A_16] : memref<32x80x128xi32, #tpu.memory_space<hbm>> -> memref<1x1x128xi32, #tpu.memory_space<hbm>>
    %dma_start3A_18 = tpu.memref_squeeze %dma_start3A_17 : memref<1x1x128xi32, #tpu.memory_space<hbm>> -> memref<128xi32, #tpu.memory_space<hbm>>
    %dma_start3A_19 = arith.constant 0 : i32
    %dma_start3A_20 = tpu.memref_slice %arg4[%add3A, %dma_start3A_15, %dma_start3A_19] : memref<32x80x128xi32, #tpu.memory_space<hbm>> -> memref<1x1x128xi32, #tpu.memory_space<hbm>>
    %dma_start3A_21 = tpu.memref_squeeze %dma_start3A_20 : memref<1x1x128xi32, #tpu.memory_space<hbm>> -> memref<128xi32, #tpu.memory_space<hbm>>
    tpu.enqueue_dma source(%dma_start3A_21 : memref<128xi32, #tpu.memory_space<hbm>>) target(%arg8 : memref<128xi32, #tpu.memory_space<vmem>>) target_semaphore(%arg14 : memref<!tpu.dma_semaphore, #tpu.memory_space<semaphore_mem>>)
    %dma_start3A_22 = arith.constant 0 : i32
    %dma_start3A_23 = arith.constant 0 : i32
    %dma_start3A_24 = tpu.memref_slice %arg2[%dma_start3A_22, %dma_start3A_23] : memref<10240x128xf32, #tpu.memory_space<hbm>> -> memref<10240x128xf32, #tpu.memory_space<hbm>>
    tpu.enqueue_indirect_dma source(%dma_start3A_24 : memref<10240x128xf32, #tpu.memory_space<hbm>>) target(%arg10 : memref<128x128xf32, #tpu.memory_space<vmem>>) offsets(%arg6 : memref<128xi32, #tpu.memory_space<vmem>>) semaphore(%arg12 : memref<!tpu.dma_semaphore, #tpu.memory_space<semaphore_mem>>)
    %dma_start3A_25 = arith.constant 1 : i32
    %dma_start3A_26 = arith.constant 0 : i32
    %dma_start3A_27 = tpu.memref_slice %arg3[%add3A, %dma_start3A_25, %dma_start3A_26] : memref<32x80x128xi32, #tpu.memory_space<hbm>> -> memref<1x1x128xi32, #tpu.memory_space<hbm>>
    %dma_start3A_28 = tpu.memref_squeeze %dma_start3A_27 : memref<1x1x128xi32, #tpu.memory_space<hbm>> -> memref<128xi32, #tpu.memory_space<hbm>>
    %dma_start3A_29 = arith.constant 0 : i32
    %dma_start3A_30 = tpu.memref_slice %arg3[%add3A, %dma_start3A_25, %dma_start3A_29] : memref<32x80x128xi32, #tpu.memory_space<hbm>> -> memref<1x1x128xi32, #tpu.memory_space<hbm>>
    %dma_start3A_31 = tpu.memref_squeeze %dma_start3A_30 : memref<1x1x128xi32, #tpu.memory_space<hbm>> -> memref<128xi32, #tpu.memory_space<hbm>>
    tpu.enqueue_dma source(%dma_start3A_31 : memref<128xi32, #tpu.memory_space<hbm>>) target(%arg7 : memref<128xi32, #tpu.memory_space<vmem>>) target_semaphore(%arg15 : memref<!tpu.dma_semaphore, #tpu.memory_space<semaphore_mem>>)
    %dma_wait3A_32 = arith.constant 1 : i32
    %dma_wait3A_33 = arith.constant 0 : i32
    %dma_wait3A_34 = tpu.memref_slice %arg3[%add3A, %dma_wait3A_32, %dma_wait3A_33] : memref<32x80x128xi32, #tpu.memory_space<hbm>> -> memref<1x1x128xi32, #tpu.memory_space<hbm>>
    %dma_wait3A_35 = tpu.memref_squeeze %dma_wait3A_34 : memref<1x1x128xi32, #tpu.memory_space<hbm>> -> memref<128xi32, #tpu.memory_space<hbm>>
    %dma_wait3A_36 = arith.constant 0 : i32
    %dma_wait3A_37 = tpu.memref_slice %arg3[%add3A, %dma_wait3A_32, %dma_wait3A_36] : memref<32x80x128xi32, #tpu.memory_space<hbm>> -> memref<1x1x128xi32, #tpu.memory_space<hbm>>
    %dma_wait3A_38 = tpu.memref_squeeze %dma_wait3A_37 : memref<1x1x128xi32, #tpu.memory_space<hbm>> -> memref<128xi32, #tpu.memory_space<hbm>>
    tpu.wait_dma2 semaphore(%arg15 : memref<!tpu.dma_semaphore, #tpu.memory_space<semaphore_mem>>) src(%dma_wait3A_38 : memref<128xi32, #tpu.memory_space<hbm>>) dst(%arg7 : memref<128xi32, #tpu.memory_space<vmem>>)
    %dma_start3A_39 = arith.constant 1 : i32
    %dma_start3A_40 = arith.constant 0 : i32
    %dma_start3A_41 = tpu.memref_slice %arg4[%add3A, %dma_start3A_39, %dma_start3A_40] : memref<32x80x128xi32, #tpu.memory_space<hbm>> -> memref<1x1x128xi32, #tpu.memory_space<hbm>>
    %dma_start3A_42 = tpu.memref_squeeze %dma_start3A_41 : memref<1x1x128xi32, #tpu.memory_space<hbm>> -> memref<128xi32, #tpu.memory_space<hbm>>
    %dma_start3A_43 = arith.constant 0 : i32
    %dma_start3A_44 = tpu.memref_slice %arg4[%add3A, %dma_start3A_39, %dma_start3A_43] : memref<32x80x128xi32, #tpu.memory_space<hbm>> -> memref<1x1x128xi32, #tpu.memory_space<hbm>>
    %dma_start3A_45 = tpu.memref_squeeze %dma_start3A_44 : memref<1x1x128xi32, #tpu.memory_space<hbm>> -> memref<128xi32, #tpu.memory_space<hbm>>
    tpu.enqueue_dma source(%dma_start3A_45 : memref<128xi32, #tpu.memory_space<hbm>>) target(%arg9 : memref<128xi32, #tpu.memory_space<vmem>>) target_semaphore(%arg15 : memref<!tpu.dma_semaphore, #tpu.memory_space<semaphore_mem>>)
    %dma_start3A_46 = arith.constant 0 : i32
    %dma_start3A_47 = arith.constant 0 : i32
    %dma_start3A_48 = tpu.memref_slice %arg2[%dma_start3A_46, %dma_start3A_47] : memref<10240x128xf32, #tpu.memory_space<hbm>> -> memref<10240x128xf32, #tpu.memory_space<hbm>>
    tpu.enqueue_indirect_dma source(%dma_start3A_48 : memref<10240x128xf32, #tpu.memory_space<hbm>>) target(%arg11 : memref<128x128xf32, #tpu.memory_space<vmem>>) offsets(%arg7 : memref<128xi32, #tpu.memory_space<vmem>>) semaphore(%arg13 : memref<!tpu.dma_semaphore, #tpu.memory_space<semaphore_mem>>)
    %scan3A = arith.constant 0 : i32
    %scan3A_49 = arith.constant 0 : i32
    %scan3A_50 = arith.constant 40 : i32
    %scan3A_51 = arith.addi %scan3A_49, %scan3A_50 : i32
    %scan3A_52 = arith.constant 1 : i32
    scf.for %scan3A_55 = %scan3A_49 to %scan3A_51 step %scan3A_52  : i32 {
      %mul3A_56 = arith.constant 2 : i32
      %mul3A_57 = arith.muli %mul3A_56, %scan3A_55 : i32
      %dma_wait3A_58 = arith.constant 0 : i32
      %dma_wait3A_59 = arith.constant 0 : i32
      %dma_wait3A_60 = tpu.memref_slice %arg2[%dma_wait3A_58, %dma_wait3A_59] : memref<10240x128xf32, #tpu.memory_space<hbm>> -> memref<10240x128xf32, #tpu.memory_space<hbm>>
      tpu.wait_indirect_dma semaphore(%arg12 : memref<!tpu.dma_semaphore, #tpu.memory_space<semaphore_mem>>) src(%dma_wait3A_60 : memref<10240x128xf32, #tpu.memory_space<hbm>>) dst(%arg10 : memref<128x128xf32, #tpu.memory_space<vmem>>)
      %dma_wait3A_61 = arith.constant 0 : i32
      %dma_wait3A_62 = tpu.memref_slice %arg4[%add3A, %mul3A_57, %dma_wait3A_61] : memref<32x80x128xi32, #tpu.memory_space<hbm>> -> memref<1x1x128xi32, #tpu.memory_space<hbm>>
      %dma_wait3A_63 = tpu.memref_squeeze %dma_wait3A_62 : memref<1x1x128xi32, #tpu.memory_space<hbm>> -> memref<128xi32, #tpu.memory_space<hbm>>
      %dma_wait3A_64 = arith.constant 0 : i32
      %dma_wait3A_65 = tpu.memref_slice %arg4[%add3A, %mul3A_57, %dma_wait3A_64] : memref<32x80x128xi32, #tpu.memory_space<hbm>> -> memref<1x1x128xi32, #tpu.memory_space<hbm>>
      %dma_wait3A_66 = tpu.memref_squeeze %dma_wait3A_65 : memref<1x1x128xi32, #tpu.memory_space<hbm>> -> memref<128xi32, #tpu.memory_space<hbm>>
      tpu.wait_dma2 semaphore(%arg14 : memref<!tpu.dma_semaphore, #tpu.memory_space<semaphore_mem>>) src(%dma_wait3A_66 : memref<128xi32, #tpu.memory_space<hbm>>) dst(%arg8 : memref<128xi32, #tpu.memory_space<vmem>>)
      %add3A_67 = arith.constant 2 : i32
      %add3A_68 = arith.addi %mul3A_57, %add3A_67 : i32
      %lt3A = arith.constant 80 : i32
      %lt3A_69 = arith.cmpi slt, %add3A_68, %lt3A : i32
      %convert_element_type3A = arith.extui %lt3A_69 : i1 to i32
      %cond3A = arith.constant 0 : i32
      %cond3A_70 = arith.cmpi ne, %convert_element_type3A, %cond3A : i32
      scf.if %cond3A_70 {
        %add3A_103 = arith.constant 2 : i32
        %add3A_104 = arith.addi %mul3A_57, %add3A_103 : i32
        %dma_start3A_105 = arith.constant 0 : i32
        %dma_start3A_106 = tpu.memref_slice %arg3[%add3A, %add3A_104, %dma_start3A_105] : memref<32x80x128xi32, #tpu.memory_space<hbm>> -> memref<1x1x128xi32, #tpu.memory_space<hbm>>
        %dma_start3A_107 = tpu.memref_squeeze %dma_start3A_106 : memref<1x1x128xi32, #tpu.memory_space<hbm>> -> memref<128xi32, #tpu.memory_space<hbm>>
        %dma_start3A_108 = arith.constant 0 : i32
        %dma_start3A_109 = tpu.memref_slice %arg3[%add3A, %add3A_104, %dma_start3A_108] : memref<32x80x128xi32, #tpu.memory_space<hbm>> -> memref<1x1x128xi32, #tpu.memory_space<hbm>>
        %dma_start3A_110 = tpu.memref_squeeze %dma_start3A_109 : memref<1x1x128xi32, #tpu.memory_space<hbm>> -> memref<128xi32, #tpu.memory_space<hbm>>
        tpu.enqueue_dma source(%dma_start3A_110 : memref<128xi32, #tpu.memory_space<hbm>>) target(%arg6 : memref<128xi32, #tpu.memory_space<vmem>>) target_semaphore(%arg14 : memref<!tpu.dma_semaphore, #tpu.memory_space<semaphore_mem>>)
      } else {
      }
      "tpu.region"() ({
        %run_scoped3A = tpu.sem_alloc : memref<!tpu.dma_semaphore, #tpu.memory_space<semaphore_mem>>
        %dma_start3A_103 = arith.constant 0 : i32
        %dma_start3A_104 = arith.constant 0 : i32
        %dma_start3A_105 = tpu.memref_slice %arg16[%dma_start3A_103, %dma_start3A_104] : memref<10240x128xf32, #tpu.memory_space<vmem_shared>> -> memref<10240x128xf32, #tpu.memory_space<vmem_shared>>
        tpu.enqueue_indirect_dma source(%arg10 : memref<128x128xf32, #tpu.memory_space<vmem>>) target(%dma_start3A_105 : memref<10240x128xf32, #tpu.memory_space<vmem_shared>>) offsets(%arg8 : memref<128xi32, #tpu.memory_space<vmem>>) semaphore(%run_scoped3A : memref<!tpu.dma_semaphore, #tpu.memory_space<semaphore_mem>>) {add = true}
        %dma_wait3A_106 = arith.constant 0 : i32
        %dma_wait3A_107 = arith.constant 0 : i32
        %dma_wait3A_108 = tpu.memref_slice %arg16[%dma_wait3A_106, %dma_wait3A_107] : memref<10240x128xf32, #tpu.memory_space<vmem_shared>> -> memref<10240x128xf32, #tpu.memory_space<vmem_shared>>
        tpu.wait_indirect_dma semaphore(%run_scoped3A : memref<!tpu.dma_semaphore, #tpu.memory_space<semaphore_mem>>) src(%arg10 : memref<128x128xf32, #tpu.memory_space<vmem>>) dst(%dma_wait3A_108 : memref<10240x128xf32, #tpu.memory_space<vmem_shared>>)
        tpu.yield
      }) : () -> ()
      %add3A_71 = arith.constant 2 : i32
      %add3A_72 = arith.addi %mul3A_57, %add3A_71 : i32
      %lt3A_73 = arith.constant 80 : i32
      %lt3A_74 = arith.cmpi slt, %add3A_72, %lt3A_73 : i32
      %convert_element_type3A_75 = arith.extui %lt3A_74 : i1 to i32
      %cond3A_76 = arith.constant 0 : i32
      %cond3A_77 = arith.cmpi ne, %convert_element_type3A_75, %cond3A_76 : i32
      scf.if %cond3A_77 {
        %add3A_103 = arith.constant 2 : i32
        %add3A_104 = arith.addi %mul3A_57, %add3A_103 : i32
        %dma_wait3A_105 = arith.constant 0 : i32
        %dma_wait3A_106 = tpu.memref_slice %arg3[%add3A, %add3A_104, %dma_wait3A_105] : memref<32x80x128xi32, #tpu.memory_space<hbm>> -> memref<1x1x128xi32, #tpu.memory_space<hbm>>
        %dma_wait3A_107 = tpu.memref_squeeze %dma_wait3A_106 : memref<1x1x128xi32, #tpu.memory_space<hbm>> -> memref<128xi32, #tpu.memory_space<hbm>>
        %dma_wait3A_108 = arith.constant 0 : i32
        %dma_wait3A_109 = tpu.memref_slice %arg3[%add3A, %add3A_104, %dma_wait3A_108] : memref<32x80x128xi32, #tpu.memory_space<hbm>> -> memref<1x1x128xi32, #tpu.memory_space<hbm>>
        %dma_wait3A_110 = tpu.memref_squeeze %dma_wait3A_109 : memref<1x1x128xi32, #tpu.memory_space<hbm>> -> memref<128xi32, #tpu.memory_space<hbm>>
        tpu.wait_dma2 semaphore(%arg14 : memref<!tpu.dma_semaphore, #tpu.memory_space<semaphore_mem>>) src(%dma_wait3A_110 : memref<128xi32, #tpu.memory_space<hbm>>) dst(%arg6 : memref<128xi32, #tpu.memory_space<vmem>>)
        %add3A_111 = arith.constant 2 : i32
        %add3A_112 = arith.addi %mul3A_57, %add3A_111 : i32
        %dma_start3A_113 = arith.constant 0 : i32
        %dma_start3A_114 = tpu.memref_slice %arg4[%add3A, %add3A_112, %dma_start3A_113] : memref<32x80x128xi32, #tpu.memory_space<hbm>> -> memref<1x1x128xi32, #tpu.memory_space<hbm>>
        %dma_start3A_115 = tpu.memref_squeeze %dma_start3A_114 : memref<1x1x128xi32, #tpu.memory_space<hbm>> -> memref<128xi32, #tpu.memory_space<hbm>>
        %dma_start3A_116 = arith.constant 0 : i32
        %dma_start3A_117 = tpu.memref_slice %arg4[%add3A, %add3A_112, %dma_start3A_116] : memref<32x80x128xi32, #tpu.memory_space<hbm>> -> memref<1x1x128xi32, #tpu.memory_space<hbm>>
        %dma_start3A_118 = tpu.memref_squeeze %dma_start3A_117 : memref<1x1x128xi32, #tpu.memory_space<hbm>> -> memref<128xi32, #tpu.memory_space<hbm>>
        tpu.enqueue_dma source(%dma_start3A_118 : memref<128xi32, #tpu.memory_space<hbm>>) target(%arg8 : memref<128xi32, #tpu.memory_space<vmem>>) target_semaphore(%arg14 : memref<!tpu.dma_semaphore, #tpu.memory_space<semaphore_mem>>)
        %dma_start3A_119 = arith.constant 0 : i32
        %dma_start3A_120 = arith.constant 0 : i32
        %dma_start3A_121 = tpu.memref_slice %arg2[%dma_start3A_119, %dma_start3A_120] : memref<10240x128xf32, #tpu.memory_space<hbm>> -> memref<10240x128xf32, #tpu.memory_space<hbm>>
        tpu.enqueue_indirect_dma source(%dma_start3A_121 : memref<10240x128xf32, #tpu.memory_space<hbm>>) target(%arg10 : memref<128x128xf32, #tpu.memory_space<vmem>>) offsets(%arg6 : memref<128xi32, #tpu.memory_space<vmem>>) semaphore(%arg12 : memref<!tpu.dma_semaphore, #tpu.memory_space<semaphore_mem>>)
      } else {
      }
      %add3A_78 = arith.constant 1 : i32
      %add3A_79 = arith.addi %mul3A_57, %add3A_78 : i32
      %dma_wait3A_80 = arith.constant 0 : i32
      %dma_wait3A_81 = arith.constant 0 : i32
      %dma_wait3A_82 = tpu.memref_slice %arg2[%dma_wait3A_80, %dma_wait3A_81] : memref<10240x128xf32, #tpu.memory_space<hbm>> -> memref<10240x128xf32, #tpu.memory_space<hbm>>
      tpu.wait_indirect_dma semaphore(%arg13 : memref<!tpu.dma_semaphore, #tpu.memory_space<semaphore_mem>>) src(%dma_wait3A_82 : memref<10240x128xf32, #tpu.memory_space<hbm>>) dst(%arg11 : memref<128x128xf32, #tpu.memory_space<vmem>>)
      %dma_wait3A_83 = arith.constant 0 : i32
      %dma_wait3A_84 = tpu.memref_slice %arg4[%add3A, %add3A_79, %dma_wait3A_83] : memref<32x80x128xi32, #tpu.memory_space<hbm>> -> memref<1x1x128xi32, #tpu.memory_space<hbm>>
      %dma_wait3A_85 = tpu.memref_squeeze %dma_wait3A_84 : memref<1x1x128xi32, #tpu.memory_space<hbm>> -> memref<128xi32, #tpu.memory_space<hbm>>
      %dma_wait3A_86 = arith.constant 0 : i32
      %dma_wait3A_87 = tpu.memref_slice %arg4[%add3A, %add3A_79, %dma_wait3A_86] : memref<32x80x128xi32, #tpu.memory_space<hbm>> -> memref<1x1x128xi32, #tpu.memory_space<hbm>>
      %dma_wait3A_88 = tpu.memref_squeeze %dma_wait3A_87 : memref<1x1x128xi32, #tpu.memory_space<hbm>> -> memref<128xi32, #tpu.memory_space<hbm>>
      tpu.wait_dma2 semaphore(%arg15 : memref<!tpu.dma_semaphore, #tpu.memory_space<semaphore_mem>>) src(%dma_wait3A_88 : memref<128xi32, #tpu.memory_space<hbm>>) dst(%arg9 : memref<128xi32, #tpu.memory_space<vmem>>)
      %add3A_89 = arith.constant 2 : i32
      %add3A_90 = arith.addi %add3A_79, %add3A_89 : i32
      %lt3A_91 = arith.constant 80 : i32
      %lt3A_92 = arith.cmpi slt, %add3A_90, %lt3A_91 : i32
      %convert_element_type3A_93 = arith.extui %lt3A_92 : i1 to i32
      %cond3A_94 = arith.constant 0 : i32
      %cond3A_95 = arith.cmpi ne, %convert_element_type3A_93, %cond3A_94 : i32
      scf.if %cond3A_95 {
        %add3A_103 = arith.constant 2 : i32
        %add3A_104 = arith.addi %add3A_79, %add3A_103 : i32
        %dma_start3A_105 = arith.constant 0 : i32
        %dma_start3A_106 = tpu.memref_slice %arg3[%add3A, %add3A_104, %dma_start3A_105] : memref<32x80x128xi32, #tpu.memory_space<hbm>> -> memref<1x1x128xi32, #tpu.memory_space<hbm>>
        %dma_start3A_107 = tpu.memref_squeeze %dma_start3A_106 : memref<1x1x128xi32, #tpu.memory_space<hbm>> -> memref<128xi32, #tpu.memory_space<hbm>>
        %dma_start3A_108 = arith.constant 0 : i32
        %dma_start3A_109 = tpu.memref_slice %arg3[%add3A, %add3A_104, %dma_start3A_108] : memref<32x80x128xi32, #tpu.memory_space<hbm>> -> memref<1x1x128xi32, #tpu.memory_space<hbm>>
        %dma_start3A_110 = tpu.memref_squeeze %dma_start3A_109 : memref<1x1x128xi32, #tpu.memory_space<hbm>> -> memref<128xi32, #tpu.memory_space<hbm>>
        tpu.enqueue_dma source(%dma_start3A_110 : memref<128xi32, #tpu.memory_space<hbm>>) target(%arg7 : memref<128xi32, #tpu.memory_space<vmem>>) target_semaphore(%arg15 : memref<!tpu.dma_semaphore, #tpu.memory_space<semaphore_mem>>)
      } else {
      }
      "tpu.region"() ({
        %run_scoped3A = tpu.sem_alloc : memref<!tpu.dma_semaphore, #tpu.memory_space<semaphore_mem>>
        %dma_start3A_103 = arith.constant 0 : i32
        %dma_start3A_104 = arith.constant 0 : i32
        %dma_start3A_105 = tpu.memref_slice %arg16[%dma_start3A_103, %dma_start3A_104] : memref<10240x128xf32, #tpu.memory_space<vmem_shared>> -> memref<10240x128xf32, #tpu.memory_space<vmem_shared>>
        tpu.enqueue_indirect_dma source(%arg11 : memref<128x128xf32, #tpu.memory_space<vmem>>) target(%dma_start3A_105 : memref<10240x128xf32, #tpu.memory_space<vmem_shared>>) offsets(%arg9 : memref<128xi32, #tpu.memory_space<vmem>>) semaphore(%run_scoped3A : memref<!tpu.dma_semaphore, #tpu.memory_space<semaphore_mem>>) {add = true}
        %dma_wait3A_106 = arith.constant 0 : i32
        %dma_wait3A_107 = arith.constant 0 : i32
        %dma_wait3A_108 = tpu.memref_slice %arg16[%dma_wait3A_106, %dma_wait3A_107] : memref<10240x128xf32, #tpu.memory_space<vmem_shared>> -> memref<10240x128xf32, #tpu.memory_space<vmem_shared>>
        tpu.wait_indirect_dma semaphore(%run_scoped3A : memref<!tpu.dma_semaphore, #tpu.memory_space<semaphore_mem>>) src(%arg11 : memref<128x128xf32, #tpu.memory_space<vmem>>) dst(%dma_wait3A_108 : memref<10240x128xf32, #tpu.memory_space<vmem_shared>>)
        tpu.yield
      }) : () -> ()
      %add3A_96 = arith.constant 2 : i32
      %add3A_97 = arith.addi %add3A_79, %add3A_96 : i32
      %lt3A_98 = arith.constant 80 : i32
      %lt3A_99 = arith.cmpi slt, %add3A_97, %lt3A_98 : i32
      %convert_element_type3A_100 = arith.extui %lt3A_99 : i1 to i32
      %cond3A_101 = arith.constant 0 : i32
      %cond3A_102 = arith.cmpi ne, %convert_element_type3A_100, %cond3A_101 : i32
      scf.if %cond3A_102 {
        %add3A_103 = arith.constant 2 : i32
        %add3A_104 = arith.addi %add3A_79, %add3A_103 : i32
        %dma_wait3A_105 = arith.constant 0 : i32
        %dma_wait3A_106 = tpu.memref_slice %arg3[%add3A, %add3A_104, %dma_wait3A_105] : memref<32x80x128xi32, #tpu.memory_space<hbm>> -> memref<1x1x128xi32, #tpu.memory_space<hbm>>
        %dma_wait3A_107 = tpu.memref_squeeze %dma_wait3A_106 : memref<1x1x128xi32, #tpu.memory_space<hbm>> -> memref<128xi32, #tpu.memory_space<hbm>>
        %dma_wait3A_108 = arith.constant 0 : i32
        %dma_wait3A_109 = tpu.memref_slice %arg3[%add3A, %add3A_104, %dma_wait3A_108] : memref<32x80x128xi32, #tpu.memory_space<hbm>> -> memref<1x1x128xi32, #tpu.memory_space<hbm>>
        %dma_wait3A_110 = tpu.memref_squeeze %dma_wait3A_109 : memref<1x1x128xi32, #tpu.memory_space<hbm>> -> memref<128xi32, #tpu.memory_space<hbm>>
        tpu.wait_dma2 semaphore(%arg15 : memref<!tpu.dma_semaphore, #tpu.memory_space<semaphore_mem>>) src(%dma_wait3A_110 : memref<128xi32, #tpu.memory_space<hbm>>) dst(%arg7 : memref<128xi32, #tpu.memory_space<vmem>>)
        %add3A_111 = arith.constant 2 : i32
        %add3A_112 = arith.addi %add3A_79, %add3A_111 : i32
        %dma_start3A_113 = arith.constant 0 : i32
        %dma_start3A_114 = tpu.memref_slice %arg4[%add3A, %add3A_112, %dma_start3A_113] : memref<32x80x128xi32, #tpu.memory_space<hbm>> -> memref<1x1x128xi32, #tpu.memory_space<hbm>>
        %dma_start3A_115 = tpu.memref_squeeze %dma_start3A_114 : memref<1x1x128xi32, #tpu.memory_space<hbm>> -> memref<128xi32, #tpu.memory_space<hbm>>
        %dma_start3A_116 = arith.constant 0 : i32
        %dma_start3A_117 = tpu.memref_slice %arg4[%add3A, %add3A_112, %dma_start3A_116] : memref<32x80x128xi32, #tpu.memory_space<hbm>> -> memref<1x1x128xi32, #tpu.memory_space<hbm>>
        %dma_start3A_118 = tpu.memref_squeeze %dma_start3A_117 : memref<1x1x128xi32, #tpu.memory_space<hbm>> -> memref<128xi32, #tpu.memory_space<hbm>>
        tpu.enqueue_dma source(%dma_start3A_118 : memref<128xi32, #tpu.memory_space<hbm>>) target(%arg9 : memref<128xi32, #tpu.memory_space<vmem>>) target_semaphore(%arg15 : memref<!tpu.dma_semaphore, #tpu.memory_space<semaphore_mem>>)
        %dma_start3A_119 = arith.constant 0 : i32
        %dma_start3A_120 = arith.constant 0 : i32
        %dma_start3A_121 = tpu.memref_slice %arg2[%dma_start3A_119, %dma_start3A_120] : memref<10240x128xf32, #tpu.memory_space<hbm>> -> memref<10240x128xf32, #tpu.memory_space<hbm>>
        tpu.enqueue_indirect_dma source(%dma_start3A_121 : memref<10240x128xf32, #tpu.memory_space<hbm>>) target(%arg11 : memref<128x128xf32, #tpu.memory_space<vmem>>) offsets(%arg7 : memref<128xi32, #tpu.memory_space<vmem>>) semaphore(%arg13 : memref<!tpu.dma_semaphore, #tpu.memory_space<semaphore_mem>>)
      } else {
      }
    }
    %scan3A_53 = arith.constant 40 : i32
    %barrier3A_54 = arith.constant 0 : index
    tpu.barrier barrier_id(%barrier3A_54)
    "tpu.region"() ({
      %run_scoped3A = tpu.sem_alloc : memref<!tpu.dma_semaphore, #tpu.memory_space<semaphore_mem>>
      %dma_start3A_55 = arith.constant 0 : i32
      %dma_start3A_56 = tpu.memref_slice %arg5[%arg0, %mul3A_2, %dma_start3A_55] : memref<2x10240x128xf32, #tpu.memory_space<hbm>> -> memref<1x640x128xf32, #tpu.memory_space<hbm>>
      %dma_start3A_57 = tpu.memref_squeeze %dma_start3A_56 : memref<1x640x128xf32, #tpu.memory_space<hbm>> -> memref<640x128xf32, #tpu.memory_space<hbm>>
      %dma_start3A_58 = arith.constant 0 : i32
      %dma_start3A_59 = tpu.memref_slice %arg16[%mul3A_2, %dma_start3A_58] : memref<10240x128xf32, #tpu.memory_space<vmem_shared>> -> memref<640x128xf32, #tpu.memory_space<vmem_shared>>
      tpu.enqueue_dma source(%dma_start3A_59 : memref<640x128xf32, #tpu.memory_space<vmem_shared>>) target(%dma_start3A_57 : memref<640x128xf32, #tpu.memory_space<hbm>>) target_semaphore(%run_scoped3A : memref<!tpu.dma_semaphore, #tpu.memory_space<semaphore_mem>>)
      %dma_wait3A_60 = arith.constant 0 : i32
      %dma_wait3A_61 = tpu.memref_slice %arg5[%arg0, %mul3A_2, %dma_wait3A_60] : memref<2x10240x128xf32, #tpu.memory_space<hbm>> -> memref<1x640x128xf32, #tpu.memory_space<hbm>>
      %dma_wait3A_62 = tpu.memref_squeeze %dma_wait3A_61 : memref<1x640x128xf32, #tpu.memory_space<hbm>> -> memref<640x128xf32, #tpu.memory_space<hbm>>
      %dma_wait3A_63 = arith.constant 0 : i32
      %dma_wait3A_64 = tpu.memref_slice %arg16[%mul3A_2, %dma_wait3A_63] : memref<10240x128xf32, #tpu.memory_space<vmem_shared>> -> memref<640x128xf32, #tpu.memory_space<vmem_shared>>
      tpu.wait_dma2 semaphore(%run_scoped3A : memref<!tpu.dma_semaphore, #tpu.memory_space<semaphore_mem>>) src(%dma_wait3A_64 : memref<640x128xf32, #tpu.memory_space<vmem_shared>>) dst(%dma_wait3A_62 : memref<640x128xf32, #tpu.memory_space<hbm>>)
      tpu.yield
    }) : () -> ()
    return
  }
}

#map = affine_map<(d0, d1) -> (0, 0)>
#map1 = affine_map<(d0, d1) -> (0, 0, 0)>
module attributes {stable_mosaic.version = 14 : i64} {
  func.func @_sc_scatter(%arg0: i32, %arg1: i32, %arg2: memref<10240x128xf32, #tpu.memory_space<hbm>>, %arg3: memref<32x80x128xi32, #tpu.memory_space<hbm>>, %arg4: memref<32x80x128xi32, #tpu.memory_space<hbm>>, %arg5: memref<2x10240x128xf32, #tpu.memory_space<hbm>>, %arg6: memref<128xi32, #tpu.memory_space<vmem>>, %arg7: memref<128xi32, #tpu.memory_space<vmem>>, %arg8: memref<128xi32, #tpu.memory_space<vmem>>, %arg9: memref<128xi32, #tpu.memory_space<vmem>>, %arg10: memref<128x128xf32, #tpu.memory_space<vmem>>, %arg11: memref<128x128xf32, #tpu.memory_space<vmem>>, %arg12: memref<!tpu.dma_semaphore, #tpu.memory_space<semaphore_mem>>, %arg13: memref<!tpu.dma_semaphore, #tpu.memory_space<semaphore_mem>>, %arg14: memref<!tpu.dma_semaphore, #tpu.memory_space<semaphore_mem>>, %arg15: memref<!tpu.dma_semaphore, #tpu.memory_space<semaphore_mem>>, %arg16: memref<10240x128xf32, #tpu.memory_space<vmem_shared>>) attributes {dimension_semantics = [#tpu.dimension_semantics<core_parallel>, #tpu.dimension_semantics<subcore_parallel>], iteration_bounds = array<i64: 2, 16>, scalar_prefetch = 0 : i64, scratch_operands = 11 : i64, tpu.core_type = #tpu.core_type<sc_vector_subcore>, window_params = [{transform_indices = #map}, {transform_indices = #map1}, {transform_indices = #map1}, {transform_indices = #map1}]} {
    %mul3A = arith.constant 16 : i32
    %mul3A_0 = arith.muli %arg0, %mul3A : i32
    %add3A = arith.addi %mul3A_0, %arg1 : i32
    %mul3A_1 = arith.constant 640 : i32
    %mul3A_2 = arith.muli %arg1, %mul3A_1 : i32
    "tpu.region"() ({
      %run_scoped3A = tpu.sem_alloc : memref<!tpu.dma_semaphore, #tpu.memory_space<semaphore_mem>>
      %dma_start3A_55 = arith.constant 0 : i32
      %dma_start3A_56 = tpu.memref_slice %arg16[%mul3A_2, %dma_start3A_55] : memref<10240x128xf32, #tpu.memory_space<vmem_shared>> -> memref<640x128xf32, #tpu.memory_space<vmem_shared>>
      %dma_start3A_57 = arith.constant 0 : i32
      %dma_start3A_58 = tpu.memref_slice %arg2[%mul3A_2, %dma_start3A_57] : memref<10240x128xf32, #tpu.memory_space<hbm>> -> memref<640x128xf32, #tpu.memory_space<hbm>>
      tpu.enqueue_dma source(%dma_start3A_58 : memref<640x128xf32, #tpu.memory_space<hbm>>) target(%dma_start3A_56 : memref<640x128xf32, #tpu.memory_space<vmem_shared>>) target_semaphore(%run_scoped3A : memref<!tpu.dma_semaphore, #tpu.memory_space<semaphore_mem>>)
      %dma_wait3A_59 = arith.constant 0 : i32
      %dma_wait3A_60 = tpu.memref_slice %arg16[%mul3A_2, %dma_wait3A_59] : memref<10240x128xf32, #tpu.memory_space<vmem_shared>> -> memref<640x128xf32, #tpu.memory_space<vmem_shared>>
      %dma_wait3A_61 = arith.constant 0 : i32
      %dma_wait3A_62 = tpu.memref_slice %arg2[%mul3A_2, %dma_wait3A_61] : memref<10240x128xf32, #tpu.memory_space<hbm>> -> memref<640x128xf32, #tpu.memory_space<hbm>>
      tpu.wait_dma2 semaphore(%run_scoped3A : memref<!tpu.dma_semaphore, #tpu.memory_space<semaphore_mem>>) src(%dma_wait3A_62 : memref<640x128xf32, #tpu.memory_space<hbm>>) dst(%dma_wait3A_60 : memref<640x128xf32, #tpu.memory_space<vmem_shared>>)
      tpu.yield
    }) : () -> ()
    %barrier3A = arith.constant 0 : index
    tpu.barrier barrier_id(%barrier3A)
    %dma_start3A = arith.constant 0 : i32
    %dma_start3A_3 = arith.constant 0 : i32
    %dma_start3A_4 = tpu.memref_slice %arg3[%add3A, %dma_start3A, %dma_start3A_3] : memref<32x80x128xi32, #tpu.memory_space<hbm>> -> memref<1x1x128xi32, #tpu.memory_space<hbm>>
    %dma_start3A_5 = tpu.memref_squeeze %dma_start3A_4 : memref<1x1x128xi32, #tpu.memory_space<hbm>> -> memref<128xi32, #tpu.memory_space<hbm>>
    %dma_start3A_6 = arith.constant 0 : i32
    %dma_start3A_7 = tpu.memref_slice %arg3[%add3A, %dma_start3A, %dma_start3A_6] : memref<32x80x128xi32, #tpu.memory_space<hbm>> -> memref<1x1x128xi32, #tpu.memory_space<hbm>>
    %dma_start3A_8 = tpu.memref_squeeze %dma_start3A_7 : memref<1x1x128xi32, #tpu.memory_space<hbm>> -> memref<128xi32, #tpu.memory_space<hbm>>
    tpu.enqueue_dma source(%dma_start3A_8 : memref<128xi32, #tpu.memory_space<hbm>>) target(%arg6 : memref<128xi32, #tpu.memory_space<vmem>>) target_semaphore(%arg14 : memref<!tpu.dma_semaphore, #tpu.memory_space<semaphore_mem>>)
    %dma_wait3A = arith.constant 0 : i32
    %dma_wait3A_9 = arith.constant 0 : i32
    %dma_wait3A_10 = tpu.memref_slice %arg3[%add3A, %dma_wait3A, %dma_wait3A_9] : memref<32x80x128xi32, #tpu.memory_space<hbm>> -> memref<1x1x128xi32, #tpu.memory_space<hbm>>
    %dma_wait3A_11 = tpu.memref_squeeze %dma_wait3A_10 : memref<1x1x128xi32, #tpu.memory_space<hbm>> -> memref<128xi32, #tpu.memory_space<hbm>>
    %dma_wait3A_12 = arith.constant 0 : i32
    %dma_wait3A_13 = tpu.memref_slice %arg3[%add3A, %dma_wait3A, %dma_wait3A_12] : memref<32x80x128xi32, #tpu.memory_space<hbm>> -> memref<1x1x128xi32, #tpu.memory_space<hbm>>
    %dma_wait3A_14 = tpu.memref_squeeze %dma_wait3A_13 : memref<1x1x128xi32, #tpu.memory_space<hbm>> -> memref<128xi32, #tpu.memory_space<hbm>>
    tpu.wait_dma2 semaphore(%arg14 : memref<!tpu.dma_semaphore, #tpu.memory_space<semaphore_mem>>) src(%dma_wait3A_14 : memref<128xi32, #tpu.memory_space<hbm>>) dst(%arg6 : memref<128xi32, #tpu.memory_space<vmem>>)
    %dma_start3A_15 = arith.constant 0 : i32
    %dma_start3A_16 = arith.constant 0 : i32
    %dma_start3A_17 = tpu.memref_slice %arg4[%add3A, %dma_start3A_15, %dma_start3A_16] : memref<32x80x128xi32, #tpu.memory_space<hbm>> -> memref<1x1x128xi32, #tpu.memory_space<hbm>>
    %dma_start3A_18 = tpu.memref_squeeze %dma_start3A_17 : memref<1x1x128xi32, #tpu.memory_space<hbm>> -> memref<128xi32, #tpu.memory_space<hbm>>
    %dma_start3A_19 = arith.constant 0 : i32
    %dma_start3A_20 = tpu.memref_slice %arg4[%add3A, %dma_start3A_15, %dma_start3A_19] : memref<32x80x128xi32, #tpu.memory_space<hbm>> -> memref<1x1x128xi32, #tpu.memory_space<hbm>>
    %dma_start3A_21 = tpu.memref_squeeze %dma_start3A_20 : memref<1x1x128xi32, #tpu.memory_space<hbm>> -> memref<128xi32, #tpu.memory_space<hbm>>
    tpu.enqueue_dma source(%dma_start3A_21 : memref<128xi32, #tpu.memory_space<hbm>>) target(%arg8 : memref<128xi32, #tpu.memory_space<vmem>>) target_semaphore(%arg14 : memref<!tpu.dma_semaphore, #tpu.memory_space<semaphore_mem>>)
    %dma_start3A_22 = arith.constant 0 : i32
    %dma_start3A_23 = arith.constant 0 : i32
    %dma_start3A_24 = tpu.memref_slice %arg2[%dma_start3A_22, %dma_start3A_23] : memref<10240x128xf32, #tpu.memory_space<hbm>> -> memref<10240x128xf32, #tpu.memory_space<hbm>>
    tpu.enqueue_indirect_dma source(%dma_start3A_24 : memref<10240x128xf32, #tpu.memory_space<hbm>>) target(%arg10 : memref<128x128xf32, #tpu.memory_space<vmem>>) offsets(%arg6 : memref<128xi32, #tpu.memory_space<vmem>>) semaphore(%arg12 : memref<!tpu.dma_semaphore, #tpu.memory_space<semaphore_mem>>)
    %dma_start3A_25 = arith.constant 1 : i32
    %dma_start3A_26 = arith.constant 0 : i32
    %dma_start3A_27 = tpu.memref_slice %arg3[%add3A, %dma_start3A_25, %dma_start3A_26] : memref<32x80x128xi32, #tpu.memory_space<hbm>> -> memref<1x1x128xi32, #tpu.memory_space<hbm>>
    %dma_start3A_28 = tpu.memref_squeeze %dma_start3A_27 : memref<1x1x128xi32, #tpu.memory_space<hbm>> -> memref<128xi32, #tpu.memory_space<hbm>>
    %dma_start3A_29 = arith.constant 0 : i32
    %dma_start3A_30 = tpu.memref_slice %arg3[%add3A, %dma_start3A_25, %dma_start3A_29] : memref<32x80x128xi32, #tpu.memory_space<hbm>> -> memref<1x1x128xi32, #tpu.memory_space<hbm>>
    %dma_start3A_31 = tpu.memref_squeeze %dma_start3A_30 : memref<1x1x128xi32, #tpu.memory_space<hbm>> -> memref<128xi32, #tpu.memory_space<hbm>>
    tpu.enqueue_dma source(%dma_start3A_31 : memref<128xi32, #tpu.memory_space<hbm>>) target(%arg7 : memref<128xi32, #tpu.memory_space<vmem>>) target_semaphore(%arg15 : memref<!tpu.dma_semaphore, #tpu.memory_space<semaphore_mem>>)
    %dma_wait3A_32 = arith.constant 1 : i32
    %dma_wait3A_33 = arith.constant 0 : i32
    %dma_wait3A_34 = tpu.memref_slice %arg3[%add3A, %dma_wait3A_32, %dma_wait3A_33] : memref<32x80x128xi32, #tpu.memory_space<hbm>> -> memref<1x1x128xi32, #tpu.memory_space<hbm>>
    %dma_wait3A_35 = tpu.memref_squeeze %dma_wait3A_34 : memref<1x1x128xi32, #tpu.memory_space<hbm>> -> memref<128xi32, #tpu.memory_space<hbm>>
    %dma_wait3A_36 = arith.constant 0 : i32
    %dma_wait3A_37 = tpu.memref_slice %arg3[%add3A, %dma_wait3A_32, %dma_wait3A_36] : memref<32x80x128xi32, #tpu.memory_space<hbm>> -> memref<1x1x128xi32, #tpu.memory_space<hbm>>
    %dma_wait3A_38 = tpu.memref_squeeze %dma_wait3A_37 : memref<1x1x128xi32, #tpu.memory_space<hbm>> -> memref<128xi32, #tpu.memory_space<hbm>>
    tpu.wait_dma2 semaphore(%arg15 : memref<!tpu.dma_semaphore, #tpu.memory_space<semaphore_mem>>) src(%dma_wait3A_38 : memref<128xi32, #tpu.memory_space<hbm>>) dst(%arg7 : memref<128xi32, #tpu.memory_space<vmem>>)
    %dma_start3A_39 = arith.constant 1 : i32
    %dma_start3A_40 = arith.constant 0 : i32
    %dma_start3A_41 = tpu.memref_slice %arg4[%add3A, %dma_start3A_39, %dma_start3A_40] : memref<32x80x128xi32, #tpu.memory_space<hbm>> -> memref<1x1x128xi32, #tpu.memory_space<hbm>>
    %dma_start3A_42 = tpu.memref_squeeze %dma_start3A_41 : memref<1x1x128xi32, #tpu.memory_space<hbm>> -> memref<128xi32, #tpu.memory_space<hbm>>
    %dma_start3A_43 = arith.constant 0 : i32
    %dma_start3A_44 = tpu.memref_slice %arg4[%add3A, %dma_start3A_39, %dma_start3A_43] : memref<32x80x128xi32, #tpu.memory_space<hbm>> -> memref<1x1x128xi32, #tpu.memory_space<hbm>>
    %dma_start3A_45 = tpu.memref_squeeze %dma_start3A_44 : memref<1x1x128xi32, #tpu.memory_space<hbm>> -> memref<128xi32, #tpu.memory_space<hbm>>
    tpu.enqueue_dma source(%dma_start3A_45 : memref<128xi32, #tpu.memory_space<hbm>>) target(%arg9 : memref<128xi32, #tpu.memory_space<vmem>>) target_semaphore(%arg15 : memref<!tpu.dma_semaphore, #tpu.memory_space<semaphore_mem>>)
    %dma_start3A_46 = arith.constant 0 : i32
    %dma_start3A_47 = arith.constant 0 : i32
    %dma_start3A_48 = tpu.memref_slice %arg2[%dma_start3A_46, %dma_start3A_47] : memref<10240x128xf32, #tpu.memory_space<hbm>> -> memref<10240x128xf32, #tpu.memory_space<hbm>>
    tpu.enqueue_indirect_dma source(%dma_start3A_48 : memref<10240x128xf32, #tpu.memory_space<hbm>>) target(%arg11 : memref<128x128xf32, #tpu.memory_space<vmem>>) offsets(%arg7 : memref<128xi32, #tpu.memory_space<vmem>>) semaphore(%arg13 : memref<!tpu.dma_semaphore, #tpu.memory_space<semaphore_mem>>)
    %scan3A = arith.constant 0 : i32
    %scan3A_49 = arith.constant 0 : i32
    %scan3A_50 = arith.constant 40 : i32
    %scan3A_51 = arith.addi %scan3A_49, %scan3A_50 : i32
    %scan3A_52 = arith.constant 1 : i32
    scf.for %scan3A_55 = %scan3A_49 to %scan3A_51 step %scan3A_52  : i32 {
      %mul3A_56 = arith.constant 2 : i32
      %mul3A_57 = arith.muli %mul3A_56, %scan3A_55 : i32
      %dma_wait3A_58 = arith.constant 0 : i32
      %dma_wait3A_59 = arith.constant 0 : i32
      %dma_wait3A_60 = tpu.memref_slice %arg2[%dma_wait3A_58, %dma_wait3A_59] : memref<10240x128xf32, #tpu.memory_space<hbm>> -> memref<10240x128xf32, #tpu.memory_space<hbm>>
      tpu.wait_indirect_dma semaphore(%arg12 : memref<!tpu.dma_semaphore, #tpu.memory_space<semaphore_mem>>) src(%dma_wait3A_60 : memref<10240x128xf32, #tpu.memory_space<hbm>>) dst(%arg10 : memref<128x128xf32, #tpu.memory_space<vmem>>)
      %dma_wait3A_61 = arith.constant 0 : i32
      %dma_wait3A_62 = tpu.memref_slice %arg4[%add3A, %mul3A_57, %dma_wait3A_61] : memref<32x80x128xi32, #tpu.memory_space<hbm>> -> memref<1x1x128xi32, #tpu.memory_space<hbm>>
      %dma_wait3A_63 = tpu.memref_squeeze %dma_wait3A_62 : memref<1x1x128xi32, #tpu.memory_space<hbm>> -> memref<128xi32, #tpu.memory_space<hbm>>
      %dma_wait3A_64 = arith.constant 0 : i32
      %dma_wait3A_65 = tpu.memref_slice %arg4[%add3A, %mul3A_57, %dma_wait3A_64] : memref<32x80x128xi32, #tpu.memory_space<hbm>> -> memref<1x1x128xi32, #tpu.memory_space<hbm>>
      %dma_wait3A_66 = tpu.memref_squeeze %dma_wait3A_65 : memref<1x1x128xi32, #tpu.memory_space<hbm>> -> memref<128xi32, #tpu.memory_space<hbm>>
      tpu.wait_dma2 semaphore(%arg14 : memref<!tpu.dma_semaphore, #tpu.memory_space<semaphore_mem>>) src(%dma_wait3A_66 : memref<128xi32, #tpu.memory_space<hbm>>) dst(%arg8 : memref<128xi32, #tpu.memory_space<vmem>>)
      %add3A_67 = arith.constant 2 : i32
      %add3A_68 = arith.addi %mul3A_57, %add3A_67 : i32
      %lt3A = arith.constant 80 : i32
      %lt3A_69 = arith.cmpi slt, %add3A_68, %lt3A : i32
      %convert_element_type3A = arith.extui %lt3A_69 : i1 to i32
      %cond3A = arith.constant 0 : i32
      %cond3A_70 = arith.cmpi ne, %convert_element_type3A, %cond3A : i32
      scf.if %cond3A_70 {
        %add3A_103 = arith.constant 2 : i32
        %add3A_104 = arith.addi %mul3A_57, %add3A_103 : i32
        %dma_start3A_105 = arith.constant 0 : i32
        %dma_start3A_106 = tpu.memref_slice %arg3[%add3A, %add3A_104, %dma_start3A_105] : memref<32x80x128xi32, #tpu.memory_space<hbm>> -> memref<1x1x128xi32, #tpu.memory_space<hbm>>
        %dma_start3A_107 = tpu.memref_squeeze %dma_start3A_106 : memref<1x1x128xi32, #tpu.memory_space<hbm>> -> memref<128xi32, #tpu.memory_space<hbm>>
        %dma_start3A_108 = arith.constant 0 : i32
        %dma_start3A_109 = tpu.memref_slice %arg3[%add3A, %add3A_104, %dma_start3A_108] : memref<32x80x128xi32, #tpu.memory_space<hbm>> -> memref<1x1x128xi32, #tpu.memory_space<hbm>>
        %dma_start3A_110 = tpu.memref_squeeze %dma_start3A_109 : memref<1x1x128xi32, #tpu.memory_space<hbm>> -> memref<128xi32, #tpu.memory_space<hbm>>
        tpu.enqueue_dma source(%dma_start3A_110 : memref<128xi32, #tpu.memory_space<hbm>>) target(%arg6 : memref<128xi32, #tpu.memory_space<vmem>>) target_semaphore(%arg14 : memref<!tpu.dma_semaphore, #tpu.memory_space<semaphore_mem>>)
      } else {
      }
      "tpu.region"() ({
        %run_scoped3A = tpu.sem_alloc : memref<!tpu.dma_semaphore, #tpu.memory_space<semaphore_mem>>
        %dma_start3A_103 = arith.constant 0 : i32
        %dma_start3A_104 = arith.constant 0 : i32
        %dma_start3A_105 = tpu.memref_slice %arg16[%dma_start3A_103, %dma_start3A_104] : memref<10240x128xf32, #tpu.memory_space<vmem_shared>> -> memref<10240x128xf32, #tpu.memory_space<vmem_shared>>
        tpu.enqueue_indirect_dma source(%arg10 : memref<128x128xf32, #tpu.memory_space<vmem>>) target(%dma_start3A_105 : memref<10240x128xf32, #tpu.memory_space<vmem_shared>>) offsets(%arg8 : memref<128xi32, #tpu.memory_space<vmem>>) semaphore(%run_scoped3A : memref<!tpu.dma_semaphore, #tpu.memory_space<semaphore_mem>>) {add = true}
        %dma_wait3A_106 = arith.constant 0 : i32
        %dma_wait3A_107 = arith.constant 0 : i32
        %dma_wait3A_108 = tpu.memref_slice %arg16[%dma_wait3A_106, %dma_wait3A_107] : memref<10240x128xf32, #tpu.memory_space<vmem_shared>> -> memref<10240x128xf32, #tpu.memory_space<vmem_shared>>
        tpu.wait_indirect_dma semaphore(%run_scoped3A : memref<!tpu.dma_semaphore, #tpu.memory_space<semaphore_mem>>) src(%arg10 : memref<128x128xf32, #tpu.memory_space<vmem>>) dst(%dma_wait3A_108 : memref<10240x128xf32, #tpu.memory_space<vmem_shared>>)
        tpu.yield
      }) : () -> ()
      %add3A_71 = arith.constant 2 : i32
      %add3A_72 = arith.addi %mul3A_57, %add3A_71 : i32
      %lt3A_73 = arith.constant 80 : i32
      %lt3A_74 = arith.cmpi slt, %add3A_72, %lt3A_73 : i32
      %convert_element_type3A_75 = arith.extui %lt3A_74 : i1 to i32
      %cond3A_76 = arith.constant 0 : i32
      %cond3A_77 = arith.cmpi ne, %convert_element_type3A_75, %cond3A_76 : i32
      scf.if %cond3A_77 {
        %add3A_103 = arith.constant 2 : i32
        %add3A_104 = arith.addi %mul3A_57, %add3A_103 : i32
        %dma_wait3A_105 = arith.constant 0 : i32
        %dma_wait3A_106 = tpu.memref_slice %arg3[%add3A, %add3A_104, %dma_wait3A_105] : memref<32x80x128xi32, #tpu.memory_space<hbm>> -> memref<1x1x128xi32, #tpu.memory_space<hbm>>
        %dma_wait3A_107 = tpu.memref_squeeze %dma_wait3A_106 : memref<1x1x128xi32, #tpu.memory_space<hbm>> -> memref<128xi32, #tpu.memory_space<hbm>>
        %dma_wait3A_108 = arith.constant 0 : i32
        %dma_wait3A_109 = tpu.memref_slice %arg3[%add3A, %add3A_104, %dma_wait3A_108] : memref<32x80x128xi32, #tpu.memory_space<hbm>> -> memref<1x1x128xi32, #tpu.memory_space<hbm>>
        %dma_wait3A_110 = tpu.memref_squeeze %dma_wait3A_109 : memref<1x1x128xi32, #tpu.memory_space<hbm>> -> memref<128xi32, #tpu.memory_space<hbm>>
        tpu.wait_dma2 semaphore(%arg14 : memref<!tpu.dma_semaphore, #tpu.memory_space<semaphore_mem>>) src(%dma_wait3A_110 : memref<128xi32, #tpu.memory_space<hbm>>) dst(%arg6 : memref<128xi32, #tpu.memory_space<vmem>>)
        %add3A_111 = arith.constant 2 : i32
        %add3A_112 = arith.addi %mul3A_57, %add3A_111 : i32
        %dma_start3A_113 = arith.constant 0 : i32
        %dma_start3A_114 = tpu.memref_slice %arg4[%add3A, %add3A_112, %dma_start3A_113] : memref<32x80x128xi32, #tpu.memory_space<hbm>> -> memref<1x1x128xi32, #tpu.memory_space<hbm>>
        %dma_start3A_115 = tpu.memref_squeeze %dma_start3A_114 : memref<1x1x128xi32, #tpu.memory_space<hbm>> -> memref<128xi32, #tpu.memory_space<hbm>>
        %dma_start3A_116 = arith.constant 0 : i32
        %dma_start3A_117 = tpu.memref_slice %arg4[%add3A, %add3A_112, %dma_start3A_116] : memref<32x80x128xi32, #tpu.memory_space<hbm>> -> memref<1x1x128xi32, #tpu.memory_space<hbm>>
        %dma_start3A_118 = tpu.memref_squeeze %dma_start3A_117 : memref<1x1x128xi32, #tpu.memory_space<hbm>> -> memref<128xi32, #tpu.memory_space<hbm>>
        tpu.enqueue_dma source(%dma_start3A_118 : memref<128xi32, #tpu.memory_space<hbm>>) target(%arg8 : memref<128xi32, #tpu.memory_space<vmem>>) target_semaphore(%arg14 : memref<!tpu.dma_semaphore, #tpu.memory_space<semaphore_mem>>)
        %dma_start3A_119 = arith.constant 0 : i32
        %dma_start3A_120 = arith.constant 0 : i32
        %dma_start3A_121 = tpu.memref_slice %arg2[%dma_start3A_119, %dma_start3A_120] : memref<10240x128xf32, #tpu.memory_space<hbm>> -> memref<10240x128xf32, #tpu.memory_space<hbm>>
        tpu.enqueue_indirect_dma source(%dma_start3A_121 : memref<10240x128xf32, #tpu.memory_space<hbm>>) target(%arg10 : memref<128x128xf32, #tpu.memory_space<vmem>>) offsets(%arg6 : memref<128xi32, #tpu.memory_space<vmem>>) semaphore(%arg12 : memref<!tpu.dma_semaphore, #tpu.memory_space<semaphore_mem>>)
      } else {
      }
      %add3A_78 = arith.constant 1 : i32
      %add3A_79 = arith.addi %mul3A_57, %add3A_78 : i32
      %dma_wait3A_80 = arith.constant 0 : i32
      %dma_wait3A_81 = arith.constant 0 : i32
      %dma_wait3A_82 = tpu.memref_slice %arg2[%dma_wait3A_80, %dma_wait3A_81] : memref<10240x128xf32, #tpu.memory_space<hbm>> -> memref<10240x128xf32, #tpu.memory_space<hbm>>
      tpu.wait_indirect_dma semaphore(%arg13 : memref<!tpu.dma_semaphore, #tpu.memory_space<semaphore_mem>>) src(%dma_wait3A_82 : memref<10240x128xf32, #tpu.memory_space<hbm>>) dst(%arg11 : memref<128x128xf32, #tpu.memory_space<vmem>>)
      %dma_wait3A_83 = arith.constant 0 : i32
      %dma_wait3A_84 = tpu.memref_slice %arg4[%add3A, %add3A_79, %dma_wait3A_83] : memref<32x80x128xi32, #tpu.memory_space<hbm>> -> memref<1x1x128xi32, #tpu.memory_space<hbm>>
      %dma_wait3A_85 = tpu.memref_squeeze %dma_wait3A_84 : memref<1x1x128xi32, #tpu.memory_space<hbm>> -> memref<128xi32, #tpu.memory_space<hbm>>
      %dma_wait3A_86 = arith.constant 0 : i32
      %dma_wait3A_87 = tpu.memref_slice %arg4[%add3A, %add3A_79, %dma_wait3A_86] : memref<32x80x128xi32, #tpu.memory_space<hbm>> -> memref<1x1x128xi32, #tpu.memory_space<hbm>>
      %dma_wait3A_88 = tpu.memref_squeeze %dma_wait3A_87 : memref<1x1x128xi32, #tpu.memory_space<hbm>> -> memref<128xi32, #tpu.memory_space<hbm>>
      tpu.wait_dma2 semaphore(%arg15 : memref<!tpu.dma_semaphore, #tpu.memory_space<semaphore_mem>>) src(%dma_wait3A_88 : memref<128xi32, #tpu.memory_space<hbm>>) dst(%arg9 : memref<128xi32, #tpu.memory_space<vmem>>)
      %add3A_89 = arith.constant 2 : i32
      %add3A_90 = arith.addi %add3A_79, %add3A_89 : i32
      %lt3A_91 = arith.constant 80 : i32
      %lt3A_92 = arith.cmpi slt, %add3A_90, %lt3A_91 : i32
      %convert_element_type3A_93 = arith.extui %lt3A_92 : i1 to i32
      %cond3A_94 = arith.constant 0 : i32
      %cond3A_95 = arith.cmpi ne, %convert_element_type3A_93, %cond3A_94 : i32
      scf.if %cond3A_95 {
        %add3A_103 = arith.constant 2 : i32
        %add3A_104 = arith.addi %add3A_79, %add3A_103 : i32
        %dma_start3A_105 = arith.constant 0 : i32
        %dma_start3A_106 = tpu.memref_slice %arg3[%add3A, %add3A_104, %dma_start3A_105] : memref<32x80x128xi32, #tpu.memory_space<hbm>> -> memref<1x1x128xi32, #tpu.memory_space<hbm>>
        %dma_start3A_107 = tpu.memref_squeeze %dma_start3A_106 : memref<1x1x128xi32, #tpu.memory_space<hbm>> -> memref<128xi32, #tpu.memory_space<hbm>>
        %dma_start3A_108 = arith.constant 0 : i32
        %dma_start3A_109 = tpu.memref_slice %arg3[%add3A, %add3A_104, %dma_start3A_108] : memref<32x80x128xi32, #tpu.memory_space<hbm>> -> memref<1x1x128xi32, #tpu.memory_space<hbm>>
        %dma_start3A_110 = tpu.memref_squeeze %dma_start3A_109 : memref<1x1x128xi32, #tpu.memory_space<hbm>> -> memref<128xi32, #tpu.memory_space<hbm>>
        tpu.enqueue_dma source(%dma_start3A_110 : memref<128xi32, #tpu.memory_space<hbm>>) target(%arg7 : memref<128xi32, #tpu.memory_space<vmem>>) target_semaphore(%arg15 : memref<!tpu.dma_semaphore, #tpu.memory_space<semaphore_mem>>)
      } else {
      }
      "tpu.region"() ({
        %run_scoped3A = tpu.sem_alloc : memref<!tpu.dma_semaphore, #tpu.memory_space<semaphore_mem>>
        %dma_start3A_103 = arith.constant 0 : i32
        %dma_start3A_104 = arith.constant 0 : i32
        %dma_start3A_105 = tpu.memref_slice %arg16[%dma_start3A_103, %dma_start3A_104] : memref<10240x128xf32, #tpu.memory_space<vmem_shared>> -> memref<10240x128xf32, #tpu.memory_space<vmem_shared>>
        tpu.enqueue_indirect_dma source(%arg11 : memref<128x128xf32, #tpu.memory_space<vmem>>) target(%dma_start3A_105 : memref<10240x128xf32, #tpu.memory_space<vmem_shared>>) offsets(%arg9 : memref<128xi32, #tpu.memory_space<vmem>>) semaphore(%run_scoped3A : memref<!tpu.dma_semaphore, #tpu.memory_space<semaphore_mem>>) {add = true}
        %dma_wait3A_106 = arith.constant 0 : i32
        %dma_wait3A_107 = arith.constant 0 : i32
        %dma_wait3A_108 = tpu.memref_slice %arg16[%dma_wait3A_106, %dma_wait3A_107] : memref<10240x128xf32, #tpu.memory_space<vmem_shared>> -> memref<10240x128xf32, #tpu.memory_space<vmem_shared>>
        tpu.wait_indirect_dma semaphore(%run_scoped3A : memref<!tpu.dma_semaphore, #tpu.memory_space<semaphore_mem>>) src(%arg11 : memref<128x128xf32, #tpu.memory_space<vmem>>) dst(%dma_wait3A_108 : memref<10240x128xf32, #tpu.memory_space<vmem_shared>>)
        tpu.yield
      }) : () -> ()
      %add3A_96 = arith.constant 2 : i32
      %add3A_97 = arith.addi %add3A_79, %add3A_96 : i32
      %lt3A_98 = arith.constant 80 : i32
      %lt3A_99 = arith.cmpi slt, %add3A_97, %lt3A_98 : i32
      %convert_element_type3A_100 = arith.extui %lt3A_99 : i1 to i32
      %cond3A_101 = arith.constant 0 : i32
      %cond3A_102 = arith.cmpi ne, %convert_element_type3A_100, %cond3A_101 : i32
      scf.if %cond3A_102 {
        %add3A_103 = arith.constant 2 : i32
        %add3A_104 = arith.addi %add3A_79, %add3A_103 : i32
        %dma_wait3A_105 = arith.constant 0 : i32
        %dma_wait3A_106 = tpu.memref_slice %arg3[%add3A, %add3A_104, %dma_wait3A_105] : memref<32x80x128xi32, #tpu.memory_space<hbm>> -> memref<1x1x128xi32, #tpu.memory_space<hbm>>
        %dma_wait3A_107 = tpu.memref_squeeze %dma_wait3A_106 : memref<1x1x128xi32, #tpu.memory_space<hbm>> -> memref<128xi32, #tpu.memory_space<hbm>>
        %dma_wait3A_108 = arith.constant 0 : i32
        %dma_wait3A_109 = tpu.memref_slice %arg3[%add3A, %add3A_104, %dma_wait3A_108] : memref<32x80x128xi32, #tpu.memory_space<hbm>> -> memref<1x1x128xi32, #tpu.memory_space<hbm>>
        %dma_wait3A_110 = tpu.memref_squeeze %dma_wait3A_109 : memref<1x1x128xi32, #tpu.memory_space<hbm>> -> memref<128xi32, #tpu.memory_space<hbm>>
        tpu.wait_dma2 semaphore(%arg15 : memref<!tpu.dma_semaphore, #tpu.memory_space<semaphore_mem>>) src(%dma_wait3A_110 : memref<128xi32, #tpu.memory_space<hbm>>) dst(%arg7 : memref<128xi32, #tpu.memory_space<vmem>>)
        %add3A_111 = arith.constant 2 : i32
        %add3A_112 = arith.addi %add3A_79, %add3A_111 : i32
        %dma_start3A_113 = arith.constant 0 : i32
        %dma_start3A_114 = tpu.memref_slice %arg4[%add3A, %add3A_112, %dma_start3A_113] : memref<32x80x128xi32, #tpu.memory_space<hbm>> -> memref<1x1x128xi32, #tpu.memory_space<hbm>>
        %dma_start3A_115 = tpu.memref_squeeze %dma_start3A_114 : memref<1x1x128xi32, #tpu.memory_space<hbm>> -> memref<128xi32, #tpu.memory_space<hbm>>
        %dma_start3A_116 = arith.constant 0 : i32
        %dma_start3A_117 = tpu.memref_slice %arg4[%add3A, %add3A_112, %dma_start3A_116] : memref<32x80x128xi32, #tpu.memory_space<hbm>> -> memref<1x1x128xi32, #tpu.memory_space<hbm>>
        %dma_start3A_118 = tpu.memref_squeeze %dma_start3A_117 : memref<1x1x128xi32, #tpu.memory_space<hbm>> -> memref<128xi32, #tpu.memory_space<hbm>>
        tpu.enqueue_dma source(%dma_start3A_118 : memref<128xi32, #tpu.memory_space<hbm>>) target(%arg9 : memref<128xi32, #tpu.memory_space<vmem>>) target_semaphore(%arg15 : memref<!tpu.dma_semaphore, #tpu.memory_space<semaphore_mem>>)
        %dma_start3A_119 = arith.constant 0 : i32
        %dma_start3A_120 = arith.constant 0 : i32
        %dma_start3A_121 = tpu.memref_slice %arg2[%dma_start3A_119, %dma_start3A_120] : memref<10240x128xf32, #tpu.memory_space<hbm>> -> memref<10240x128xf32, #tpu.memory_space<hbm>>
        tpu.enqueue_indirect_dma source(%dma_start3A_121 : memref<10240x128xf32, #tpu.memory_space<hbm>>) target(%arg11 : memref<128x128xf32, #tpu.memory_space<vmem>>) offsets(%arg7 : memref<128xi32, #tpu.memory_space<vmem>>) semaphore(%arg13 : memref<!tpu.dma_semaphore, #tpu.memory_space<semaphore_mem>>)
      } else {
      }
    }
    %scan3A_53 = arith.constant 40 : i32
    %barrier3A_54 = arith.constant 0 : index
    tpu.barrier barrier_id(%barrier3A_54)
    "tpu.region"() ({
      %run_scoped3A = tpu.sem_alloc : memref<!tpu.dma_semaphore, #tpu.memory_space<semaphore_mem>>
      %dma_start3A_55 = arith.constant 0 : i32
      %dma_start3A_56 = tpu.memref_slice %arg5[%arg0, %mul3A_2, %dma_start3A_55] : memref<2x10240x128xf32, #tpu.memory_space<hbm>> -> memref<1x640x128xf32, #tpu.memory_space<hbm>>
      %dma_start3A_57 = tpu.memref_squeeze %dma_start3A_56 : memref<1x640x128xf32, #tpu.memory_space<hbm>> -> memref<640x128xf32, #tpu.memory_space<hbm>>
      %dma_start3A_58 = arith.constant 0 : i32
      %dma_start3A_59 = tpu.memref_slice %arg16[%mul3A_2, %dma_start3A_58] : memref<10240x128xf32, #tpu.memory_space<vmem_shared>> -> memref<640x128xf32, #tpu.memory_space<vmem_shared>>
      tpu.enqueue_dma source(%dma_start3A_59 : memref<640x128xf32, #tpu.memory_space<vmem_shared>>) target(%dma_start3A_57 : memref<640x128xf32, #tpu.memory_space<hbm>>) target_semaphore(%run_scoped3A : memref<!tpu.dma_semaphore, #tpu.memory_space<semaphore_mem>>)
      %dma_wait3A_60 = arith.constant 0 : i32
      %dma_wait3A_61 = tpu.memref_slice %arg5[%arg0, %mul3A_2, %dma_wait3A_60] : memref<2x10240x128xf32, #tpu.memory_space<hbm>> -> memref<1x640x128xf32, #tpu.memory_space<hbm>>
      %dma_wait3A_62 = tpu.memref_squeeze %dma_wait3A_61 : memref<1x640x128xf32, #tpu.memory_space<hbm>> -> memref<640x128xf32, #tpu.memory_space<hbm>>
      %dma_wait3A_63 = arith.constant 0 : i32
      %dma_wait3A_64 = tpu.memref_slice %arg16[%mul3A_2, %dma_wait3A_63] : memref<10240x128xf32, #tpu.memory_space<vmem_shared>> -> memref<640x128xf32, #tpu.memory_space<vmem_shared>>
      tpu.wait_dma2 semaphore(%run_scoped3A : memref<!tpu.dma_semaphore, #tpu.memory_space<semaphore_mem>>) src(%dma_wait3A_64 : memref<640x128xf32, #tpu.memory_space<vmem_shared>>) dst(%dma_wait3A_62 : memref<640x128xf32, #tpu.memory_space<hbm>>)
      tpu.yield
    }) : () -> ()
    return
  }
}

#map = affine_map<(d0, d1) -> (0, 0)>
#map1 = affine_map<(d0, d1) -> (0, 0, 0)>
module attributes {stable_mosaic.version = 14 : i64} {
  func.func @_sc_scatter(%arg0: i32, %arg1: i32, %arg2: memref<10240x128xf32, #tpu.memory_space<hbm>>, %arg3: memref<32x80x128xi32, #tpu.memory_space<hbm>>, %arg4: memref<32x80x128xi32, #tpu.memory_space<hbm>>, %arg5: memref<2x10240x128xf32, #tpu.memory_space<hbm>>, %arg6: memref<128xi32, #tpu.memory_space<vmem>>, %arg7: memref<128xi32, #tpu.memory_space<vmem>>, %arg8: memref<128xi32, #tpu.memory_space<vmem>>, %arg9: memref<128xi32, #tpu.memory_space<vmem>>, %arg10: memref<128x128xf32, #tpu.memory_space<vmem>>, %arg11: memref<128x128xf32, #tpu.memory_space<vmem>>, %arg12: memref<!tpu.dma_semaphore, #tpu.memory_space<semaphore_mem>>, %arg13: memref<!tpu.dma_semaphore, #tpu.memory_space<semaphore_mem>>, %arg14: memref<!tpu.dma_semaphore, #tpu.memory_space<semaphore_mem>>, %arg15: memref<!tpu.dma_semaphore, #tpu.memory_space<semaphore_mem>>, %arg16: memref<10240x128xf32, #tpu.memory_space<vmem_shared>>) attributes {dimension_semantics = [#tpu.dimension_semantics<core_parallel>, #tpu.dimension_semantics<subcore_parallel>], iteration_bounds = array<i64: 2, 16>, scalar_prefetch = 0 : i64, scratch_operands = 11 : i64, tpu.core_type = #tpu.core_type<sc_vector_subcore>, window_params = [{transform_indices = #map}, {transform_indices = #map1}, {transform_indices = #map1}, {transform_indices = #map1}]} {
    %mul3A = arith.constant 16 : i32
    %mul3A_0 = arith.muli %arg0, %mul3A : i32
    %add3A = arith.addi %mul3A_0, %arg1 : i32
    %mul3A_1 = arith.constant 640 : i32
    %mul3A_2 = arith.muli %arg1, %mul3A_1 : i32
    "tpu.region"() ({
      %run_scoped3A = tpu.sem_alloc : memref<!tpu.dma_semaphore, #tpu.memory_space<semaphore_mem>>
      %dma_start3A_55 = arith.constant 0 : i32
      %dma_start3A_56 = tpu.memref_slice %arg16[%mul3A_2, %dma_start3A_55] : memref<10240x128xf32, #tpu.memory_space<vmem_shared>> -> memref<640x128xf32, #tpu.memory_space<vmem_shared>>
      %dma_start3A_57 = arith.constant 0 : i32
      %dma_start3A_58 = tpu.memref_slice %arg2[%mul3A_2, %dma_start3A_57] : memref<10240x128xf32, #tpu.memory_space<hbm>> -> memref<640x128xf32, #tpu.memory_space<hbm>>
      tpu.enqueue_dma source(%dma_start3A_58 : memref<640x128xf32, #tpu.memory_space<hbm>>) target(%dma_start3A_56 : memref<640x128xf32, #tpu.memory_space<vmem_shared>>) target_semaphore(%run_scoped3A : memref<!tpu.dma_semaphore, #tpu.memory_space<semaphore_mem>>)
      %dma_wait3A_59 = arith.constant 0 : i32
      %dma_wait3A_60 = tpu.memref_slice %arg16[%mul3A_2, %dma_wait3A_59] : memref<10240x128xf32, #tpu.memory_space<vmem_shared>> -> memref<640x128xf32, #tpu.memory_space<vmem_shared>>
      %dma_wait3A_61 = arith.constant 0 : i32
      %dma_wait3A_62 = tpu.memref_slice %arg2[%mul3A_2, %dma_wait3A_61] : memref<10240x128xf32, #tpu.memory_space<hbm>> -> memref<640x128xf32, #tpu.memory_space<hbm>>
      tpu.wait_dma2 semaphore(%run_scoped3A : memref<!tpu.dma_semaphore, #tpu.memory_space<semaphore_mem>>) src(%dma_wait3A_62 : memref<640x128xf32, #tpu.memory_space<hbm>>) dst(%dma_wait3A_60 : memref<640x128xf32, #tpu.memory_space<vmem_shared>>)
      tpu.yield
    }) : () -> ()
    %barrier3A = arith.constant 0 : index
    tpu.barrier barrier_id(%barrier3A)
    %dma_start3A = arith.constant 0 : i32
    %dma_start3A_3 = arith.constant 0 : i32
    %dma_start3A_4 = tpu.memref_slice %arg3[%add3A, %dma_start3A, %dma_start3A_3] : memref<32x80x128xi32, #tpu.memory_space<hbm>> -> memref<1x1x128xi32, #tpu.memory_space<hbm>>
    %dma_start3A_5 = tpu.memref_squeeze %dma_start3A_4 : memref<1x1x128xi32, #tpu.memory_space<hbm>> -> memref<128xi32, #tpu.memory_space<hbm>>
    %dma_start3A_6 = arith.constant 0 : i32
    %dma_start3A_7 = tpu.memref_slice %arg3[%add3A, %dma_start3A, %dma_start3A_6] : memref<32x80x128xi32, #tpu.memory_space<hbm>> -> memref<1x1x128xi32, #tpu.memory_space<hbm>>
    %dma_start3A_8 = tpu.memref_squeeze %dma_start3A_7 : memref<1x1x128xi32, #tpu.memory_space<hbm>> -> memref<128xi32, #tpu.memory_space<hbm>>
    tpu.enqueue_dma source(%dma_start3A_8 : memref<128xi32, #tpu.memory_space<hbm>>) target(%arg6 : memref<128xi32, #tpu.memory_space<vmem>>) target_semaphore(%arg14 : memref<!tpu.dma_semaphore, #tpu.memory_space<semaphore_mem>>)
    %dma_wait3A = arith.constant 0 : i32
    %dma_wait3A_9 = arith.constant 0 : i32
    %dma_wait3A_10 = tpu.memref_slice %arg3[%add3A, %dma_wait3A, %dma_wait3A_9] : memref<32x80x128xi32, #tpu.memory_space<hbm>> -> memref<1x1x128xi32, #tpu.memory_space<hbm>>
    %dma_wait3A_11 = tpu.memref_squeeze %dma_wait3A_10 : memref<1x1x128xi32, #tpu.memory_space<hbm>> -> memref<128xi32, #tpu.memory_space<hbm>>
    %dma_wait3A_12 = arith.constant 0 : i32
    %dma_wait3A_13 = tpu.memref_slice %arg3[%add3A, %dma_wait3A, %dma_wait3A_12] : memref<32x80x128xi32, #tpu.memory_space<hbm>> -> memref<1x1x128xi32, #tpu.memory_space<hbm>>
    %dma_wait3A_14 = tpu.memref_squeeze %dma_wait3A_13 : memref<1x1x128xi32, #tpu.memory_space<hbm>> -> memref<128xi32, #tpu.memory_space<hbm>>
    tpu.wait_dma2 semaphore(%arg14 : memref<!tpu.dma_semaphore, #tpu.memory_space<semaphore_mem>>) src(%dma_wait3A_14 : memref<128xi32, #tpu.memory_space<hbm>>) dst(%arg6 : memref<128xi32, #tpu.memory_space<vmem>>)
    %dma_start3A_15 = arith.constant 0 : i32
    %dma_start3A_16 = arith.constant 0 : i32
    %dma_start3A_17 = tpu.memref_slice %arg4[%add3A, %dma_start3A_15, %dma_start3A_16] : memref<32x80x128xi32, #tpu.memory_space<hbm>> -> memref<1x1x128xi32, #tpu.memory_space<hbm>>
    %dma_start3A_18 = tpu.memref_squeeze %dma_start3A_17 : memref<1x1x128xi32, #tpu.memory_space<hbm>> -> memref<128xi32, #tpu.memory_space<hbm>>
    %dma_start3A_19 = arith.constant 0 : i32
    %dma_start3A_20 = tpu.memref_slice %arg4[%add3A, %dma_start3A_15, %dma_start3A_19] : memref<32x80x128xi32, #tpu.memory_space<hbm>> -> memref<1x1x128xi32, #tpu.memory_space<hbm>>
    %dma_start3A_21 = tpu.memref_squeeze %dma_start3A_20 : memref<1x1x128xi32, #tpu.memory_space<hbm>> -> memref<128xi32, #tpu.memory_space<hbm>>
    tpu.enqueue_dma source(%dma_start3A_21 : memref<128xi32, #tpu.memory_space<hbm>>) target(%arg8 : memref<128xi32, #tpu.memory_space<vmem>>) target_semaphore(%arg14 : memref<!tpu.dma_semaphore, #tpu.memory_space<semaphore_mem>>)
    %dma_start3A_22 = arith.constant 0 : i32
    %dma_start3A_23 = arith.constant 0 : i32
    %dma_start3A_24 = tpu.memref_slice %arg2[%dma_start3A_22, %dma_start3A_23] : memref<10240x128xf32, #tpu.memory_space<hbm>> -> memref<10240x128xf32, #tpu.memory_space<hbm>>
    tpu.enqueue_indirect_dma source(%dma_start3A_24 : memref<10240x128xf32, #tpu.memory_space<hbm>>) target(%arg10 : memref<128x128xf32, #tpu.memory_space<vmem>>) offsets(%arg6 : memref<128xi32, #tpu.memory_space<vmem>>) semaphore(%arg12 : memref<!tpu.dma_semaphore, #tpu.memory_space<semaphore_mem>>)
    %dma_start3A_25 = arith.constant 1 : i32
    %dma_start3A_26 = arith.constant 0 : i32
    %dma_start3A_27 = tpu.memref_slice %arg3[%add3A, %dma_start3A_25, %dma_start3A_26] : memref<32x80x128xi32, #tpu.memory_space<hbm>> -> memref<1x1x128xi32, #tpu.memory_space<hbm>>
    %dma_start3A_28 = tpu.memref_squeeze %dma_start3A_27 : memref<1x1x128xi32, #tpu.memory_space<hbm>> -> memref<128xi32, #tpu.memory_space<hbm>>
    %dma_start3A_29 = arith.constant 0 : i32
    %dma_start3A_30 = tpu.memref_slice %arg3[%add3A, %dma_start3A_25, %dma_start3A_29] : memref<32x80x128xi32, #tpu.memory_space<hbm>> -> memref<1x1x128xi32, #tpu.memory_space<hbm>>
    %dma_start3A_31 = tpu.memref_squeeze %dma_start3A_30 : memref<1x1x128xi32, #tpu.memory_space<hbm>> -> memref<128xi32, #tpu.memory_space<hbm>>
    tpu.enqueue_dma source(%dma_start3A_31 : memref<128xi32, #tpu.memory_space<hbm>>) target(%arg7 : memref<128xi32, #tpu.memory_space<vmem>>) target_semaphore(%arg15 : memref<!tpu.dma_semaphore, #tpu.memory_space<semaphore_mem>>)
    %dma_wait3A_32 = arith.constant 1 : i32
    %dma_wait3A_33 = arith.constant 0 : i32
    %dma_wait3A_34 = tpu.memref_slice %arg3[%add3A, %dma_wait3A_32, %dma_wait3A_33] : memref<32x80x128xi32, #tpu.memory_space<hbm>> -> memref<1x1x128xi32, #tpu.memory_space<hbm>>
    %dma_wait3A_35 = tpu.memref_squeeze %dma_wait3A_34 : memref<1x1x128xi32, #tpu.memory_space<hbm>> -> memref<128xi32, #tpu.memory_space<hbm>>
    %dma_wait3A_36 = arith.constant 0 : i32
    %dma_wait3A_37 = tpu.memref_slice %arg3[%add3A, %dma_wait3A_32, %dma_wait3A_36] : memref<32x80x128xi32, #tpu.memory_space<hbm>> -> memref<1x1x128xi32, #tpu.memory_space<hbm>>
    %dma_wait3A_38 = tpu.memref_squeeze %dma_wait3A_37 : memref<1x1x128xi32, #tpu.memory_space<hbm>> -> memref<128xi32, #tpu.memory_space<hbm>>
    tpu.wait_dma2 semaphore(%arg15 : memref<!tpu.dma_semaphore, #tpu.memory_space<semaphore_mem>>) src(%dma_wait3A_38 : memref<128xi32, #tpu.memory_space<hbm>>) dst(%arg7 : memref<128xi32, #tpu.memory_space<vmem>>)
    %dma_start3A_39 = arith.constant 1 : i32
    %dma_start3A_40 = arith.constant 0 : i32
    %dma_start3A_41 = tpu.memref_slice %arg4[%add3A, %dma_start3A_39, %dma_start3A_40] : memref<32x80x128xi32, #tpu.memory_space<hbm>> -> memref<1x1x128xi32, #tpu.memory_space<hbm>>
    %dma_start3A_42 = tpu.memref_squeeze %dma_start3A_41 : memref<1x1x128xi32, #tpu.memory_space<hbm>> -> memref<128xi32, #tpu.memory_space<hbm>>
    %dma_start3A_43 = arith.constant 0 : i32
    %dma_start3A_44 = tpu.memref_slice %arg4[%add3A, %dma_start3A_39, %dma_start3A_43] : memref<32x80x128xi32, #tpu.memory_space<hbm>> -> memref<1x1x128xi32, #tpu.memory_space<hbm>>
    %dma_start3A_45 = tpu.memref_squeeze %dma_start3A_44 : memref<1x1x128xi32, #tpu.memory_space<hbm>> -> memref<128xi32, #tpu.memory_space<hbm>>
    tpu.enqueue_dma source(%dma_start3A_45 : memref<128xi32, #tpu.memory_space<hbm>>) target(%arg9 : memref<128xi32, #tpu.memory_space<vmem>>) target_semaphore(%arg15 : memref<!tpu.dma_semaphore, #tpu.memory_space<semaphore_mem>>)
    %dma_start3A_46 = arith.constant 0 : i32
    %dma_start3A_47 = arith.constant 0 : i32
    %dma_start3A_48 = tpu.memref_slice %arg2[%dma_start3A_46, %dma_start3A_47] : memref<10240x128xf32, #tpu.memory_space<hbm>> -> memref<10240x128xf32, #tpu.memory_space<hbm>>
    tpu.enqueue_indirect_dma source(%dma_start3A_48 : memref<10240x128xf32, #tpu.memory_space<hbm>>) target(%arg11 : memref<128x128xf32, #tpu.memory_space<vmem>>) offsets(%arg7 : memref<128xi32, #tpu.memory_space<vmem>>) semaphore(%arg13 : memref<!tpu.dma_semaphore, #tpu.memory_space<semaphore_mem>>)
    %scan3A = arith.constant 0 : i32
    %scan3A_49 = arith.constant 0 : i32
    %scan3A_50 = arith.constant 40 : i32
    %scan3A_51 = arith.addi %scan3A_49, %scan3A_50 : i32
    %scan3A_52 = arith.constant 1 : i32
    scf.for %scan3A_55 = %scan3A_49 to %scan3A_51 step %scan3A_52  : i32 {
      %mul3A_56 = arith.constant 2 : i32
      %mul3A_57 = arith.muli %mul3A_56, %scan3A_55 : i32
      %dma_wait3A_58 = arith.constant 0 : i32
      %dma_wait3A_59 = arith.constant 0 : i32
      %dma_wait3A_60 = tpu.memref_slice %arg2[%dma_wait3A_58, %dma_wait3A_59] : memref<10240x128xf32, #tpu.memory_space<hbm>> -> memref<10240x128xf32, #tpu.memory_space<hbm>>
      tpu.wait_indirect_dma semaphore(%arg12 : memref<!tpu.dma_semaphore, #tpu.memory_space<semaphore_mem>>) src(%dma_wait3A_60 : memref<10240x128xf32, #tpu.memory_space<hbm>>) dst(%arg10 : memref<128x128xf32, #tpu.memory_space<vmem>>)
      %dma_wait3A_61 = arith.constant 0 : i32
      %dma_wait3A_62 = tpu.memref_slice %arg4[%add3A, %mul3A_57, %dma_wait3A_61] : memref<32x80x128xi32, #tpu.memory_space<hbm>> -> memref<1x1x128xi32, #tpu.memory_space<hbm>>
      %dma_wait3A_63 = tpu.memref_squeeze %dma_wait3A_62 : memref<1x1x128xi32, #tpu.memory_space<hbm>> -> memref<128xi32, #tpu.memory_space<hbm>>
      %dma_wait3A_64 = arith.constant 0 : i32
      %dma_wait3A_65 = tpu.memref_slice %arg4[%add3A, %mul3A_57, %dma_wait3A_64] : memref<32x80x128xi32, #tpu.memory_space<hbm>> -> memref<1x1x128xi32, #tpu.memory_space<hbm>>
      %dma_wait3A_66 = tpu.memref_squeeze %dma_wait3A_65 : memref<1x1x128xi32, #tpu.memory_space<hbm>> -> memref<128xi32, #tpu.memory_space<hbm>>
      tpu.wait_dma2 semaphore(%arg14 : memref<!tpu.dma_semaphore, #tpu.memory_space<semaphore_mem>>) src(%dma_wait3A_66 : memref<128xi32, #tpu.memory_space<hbm>>) dst(%arg8 : memref<128xi32, #tpu.memory_space<vmem>>)
      %add3A_67 = arith.constant 2 : i32
      %add3A_68 = arith.addi %mul3A_57, %add3A_67 : i32
      %lt3A = arith.constant 80 : i32
      %lt3A_69 = arith.cmpi slt, %add3A_68, %lt3A : i32
      %convert_element_type3A = arith.extui %lt3A_69 : i1 to i32
      %cond3A = arith.constant 0 : i32
      %cond3A_70 = arith.cmpi ne, %convert_element_type3A, %cond3A : i32
      scf.if %cond3A_70 {
        %add3A_103 = arith.constant 2 : i32
        %add3A_104 = arith.addi %mul3A_57, %add3A_103 : i32
        %dma_start3A_105 = arith.constant 0 : i32
        %dma_start3A_106 = tpu.memref_slice %arg3[%add3A, %add3A_104, %dma_start3A_105] : memref<32x80x128xi32, #tpu.memory_space<hbm>> -> memref<1x1x128xi32, #tpu.memory_space<hbm>>
        %dma_start3A_107 = tpu.memref_squeeze %dma_start3A_106 : memref<1x1x128xi32, #tpu.memory_space<hbm>> -> memref<128xi32, #tpu.memory_space<hbm>>
        %dma_start3A_108 = arith.constant 0 : i32
        %dma_start3A_109 = tpu.memref_slice %arg3[%add3A, %add3A_104, %dma_start3A_108] : memref<32x80x128xi32, #tpu.memory_space<hbm>> -> memref<1x1x128xi32, #tpu.memory_space<hbm>>
        %dma_start3A_110 = tpu.memref_squeeze %dma_start3A_109 : memref<1x1x128xi32, #tpu.memory_space<hbm>> -> memref<128xi32, #tpu.memory_space<hbm>>
        tpu.enqueue_dma source(%dma_start3A_110 : memref<128xi32, #tpu.memory_space<hbm>>) target(%arg6 : memref<128xi32, #tpu.memory_space<vmem>>) target_semaphore(%arg14 : memref<!tpu.dma_semaphore, #tpu.memory_space<semaphore_mem>>)
      } else {
      }
      "tpu.region"() ({
        %run_scoped3A = tpu.sem_alloc : memref<!tpu.dma_semaphore, #tpu.memory_space<semaphore_mem>>
        %dma_start3A_103 = arith.constant 0 : i32
        %dma_start3A_104 = arith.constant 0 : i32
        %dma_start3A_105 = tpu.memref_slice %arg16[%dma_start3A_103, %dma_start3A_104] : memref<10240x128xf32, #tpu.memory_space<vmem_shared>> -> memref<10240x128xf32, #tpu.memory_space<vmem_shared>>
        tpu.enqueue_indirect_dma source(%arg10 : memref<128x128xf32, #tpu.memory_space<vmem>>) target(%dma_start3A_105 : memref<10240x128xf32, #tpu.memory_space<vmem_shared>>) offsets(%arg8 : memref<128xi32, #tpu.memory_space<vmem>>) semaphore(%run_scoped3A : memref<!tpu.dma_semaphore, #tpu.memory_space<semaphore_mem>>) {add = true}
        %dma_wait3A_106 = arith.constant 0 : i32
        %dma_wait3A_107 = arith.constant 0 : i32
        %dma_wait3A_108 = tpu.memref_slice %arg16[%dma_wait3A_106, %dma_wait3A_107] : memref<10240x128xf32, #tpu.memory_space<vmem_shared>> -> memref<10240x128xf32, #tpu.memory_space<vmem_shared>>
        tpu.wait_indirect_dma semaphore(%run_scoped3A : memref<!tpu.dma_semaphore, #tpu.memory_space<semaphore_mem>>) src(%arg10 : memref<128x128xf32, #tpu.memory_space<vmem>>) dst(%dma_wait3A_108 : memref<10240x128xf32, #tpu.memory_space<vmem_shared>>)
        tpu.yield
      }) : () -> ()
      %add3A_71 = arith.constant 2 : i32
      %add3A_72 = arith.addi %mul3A_57, %add3A_71 : i32
      %lt3A_73 = arith.constant 80 : i32
      %lt3A_74 = arith.cmpi slt, %add3A_72, %lt3A_73 : i32
      %convert_element_type3A_75 = arith.extui %lt3A_74 : i1 to i32
      %cond3A_76 = arith.constant 0 : i32
      %cond3A_77 = arith.cmpi ne, %convert_element_type3A_75, %cond3A_76 : i32
      scf.if %cond3A_77 {
        %add3A_103 = arith.constant 2 : i32
        %add3A_104 = arith.addi %mul3A_57, %add3A_103 : i32
        %dma_wait3A_105 = arith.constant 0 : i32
        %dma_wait3A_106 = tpu.memref_slice %arg3[%add3A, %add3A_104, %dma_wait3A_105] : memref<32x80x128xi32, #tpu.memory_space<hbm>> -> memref<1x1x128xi32, #tpu.memory_space<hbm>>
        %dma_wait3A_107 = tpu.memref_squeeze %dma_wait3A_106 : memref<1x1x128xi32, #tpu.memory_space<hbm>> -> memref<128xi32, #tpu.memory_space<hbm>>
        %dma_wait3A_108 = arith.constant 0 : i32
        %dma_wait3A_109 = tpu.memref_slice %arg3[%add3A, %add3A_104, %dma_wait3A_108] : memref<32x80x128xi32, #tpu.memory_space<hbm>> -> memref<1x1x128xi32, #tpu.memory_space<hbm>>
        %dma_wait3A_110 = tpu.memref_squeeze %dma_wait3A_109 : memref<1x1x128xi32, #tpu.memory_space<hbm>> -> memref<128xi32, #tpu.memory_space<hbm>>
        tpu.wait_dma2 semaphore(%arg14 : memref<!tpu.dma_semaphore, #tpu.memory_space<semaphore_mem>>) src(%dma_wait3A_110 : memref<128xi32, #tpu.memory_space<hbm>>) dst(%arg6 : memref<128xi32, #tpu.memory_space<vmem>>)
        %add3A_111 = arith.constant 2 : i32
        %add3A_112 = arith.addi %mul3A_57, %add3A_111 : i32
        %dma_start3A_113 = arith.constant 0 : i32
        %dma_start3A_114 = tpu.memref_slice %arg4[%add3A, %add3A_112, %dma_start3A_113] : memref<32x80x128xi32, #tpu.memory_space<hbm>> -> memref<1x1x128xi32, #tpu.memory_space<hbm>>
        %dma_start3A_115 = tpu.memref_squeeze %dma_start3A_114 : memref<1x1x128xi32, #tpu.memory_space<hbm>> -> memref<128xi32, #tpu.memory_space<hbm>>
        %dma_start3A_116 = arith.constant 0 : i32
        %dma_start3A_117 = tpu.memref_slice %arg4[%add3A, %add3A_112, %dma_start3A_116] : memref<32x80x128xi32, #tpu.memory_space<hbm>> -> memref<1x1x128xi32, #tpu.memory_space<hbm>>
        %dma_start3A_118 = tpu.memref_squeeze %dma_start3A_117 : memref<1x1x128xi32, #tpu.memory_space<hbm>> -> memref<128xi32, #tpu.memory_space<hbm>>
        tpu.enqueue_dma source(%dma_start3A_118 : memref<128xi32, #tpu.memory_space<hbm>>) target(%arg8 : memref<128xi32, #tpu.memory_space<vmem>>) target_semaphore(%arg14 : memref<!tpu.dma_semaphore, #tpu.memory_space<semaphore_mem>>)
        %dma_start3A_119 = arith.constant 0 : i32
        %dma_start3A_120 = arith.constant 0 : i32
        %dma_start3A_121 = tpu.memref_slice %arg2[%dma_start3A_119, %dma_start3A_120] : memref<10240x128xf32, #tpu.memory_space<hbm>> -> memref<10240x128xf32, #tpu.memory_space<hbm>>
        tpu.enqueue_indirect_dma source(%dma_start3A_121 : memref<10240x128xf32, #tpu.memory_space<hbm>>) target(%arg10 : memref<128x128xf32, #tpu.memory_space<vmem>>) offsets(%arg6 : memref<128xi32, #tpu.memory_space<vmem>>) semaphore(%arg12 : memref<!tpu.dma_semaphore, #tpu.memory_space<semaphore_mem>>)
      } else {
      }
      %add3A_78 = arith.constant 1 : i32
      %add3A_79 = arith.addi %mul3A_57, %add3A_78 : i32
      %dma_wait3A_80 = arith.constant 0 : i32
      %dma_wait3A_81 = arith.constant 0 : i32
      %dma_wait3A_82 = tpu.memref_slice %arg2[%dma_wait3A_80, %dma_wait3A_81] : memref<10240x128xf32, #tpu.memory_space<hbm>> -> memref<10240x128xf32, #tpu.memory_space<hbm>>
      tpu.wait_indirect_dma semaphore(%arg13 : memref<!tpu.dma_semaphore, #tpu.memory_space<semaphore_mem>>) src(%dma_wait3A_82 : memref<10240x128xf32, #tpu.memory_space<hbm>>) dst(%arg11 : memref<128x128xf32, #tpu.memory_space<vmem>>)
      %dma_wait3A_83 = arith.constant 0 : i32
      %dma_wait3A_84 = tpu.memref_slice %arg4[%add3A, %add3A_79, %dma_wait3A_83] : memref<32x80x128xi32, #tpu.memory_space<hbm>> -> memref<1x1x128xi32, #tpu.memory_space<hbm>>
      %dma_wait3A_85 = tpu.memref_squeeze %dma_wait3A_84 : memref<1x1x128xi32, #tpu.memory_space<hbm>> -> memref<128xi32, #tpu.memory_space<hbm>>
      %dma_wait3A_86 = arith.constant 0 : i32
      %dma_wait3A_87 = tpu.memref_slice %arg4[%add3A, %add3A_79, %dma_wait3A_86] : memref<32x80x128xi32, #tpu.memory_space<hbm>> -> memref<1x1x128xi32, #tpu.memory_space<hbm>>
      %dma_wait3A_88 = tpu.memref_squeeze %dma_wait3A_87 : memref<1x1x128xi32, #tpu.memory_space<hbm>> -> memref<128xi32, #tpu.memory_space<hbm>>
      tpu.wait_dma2 semaphore(%arg15 : memref<!tpu.dma_semaphore, #tpu.memory_space<semaphore_mem>>) src(%dma_wait3A_88 : memref<128xi32, #tpu.memory_space<hbm>>) dst(%arg9 : memref<128xi32, #tpu.memory_space<vmem>>)
      %add3A_89 = arith.constant 2 : i32
      %add3A_90 = arith.addi %add3A_79, %add3A_89 : i32
      %lt3A_91 = arith.constant 80 : i32
      %lt3A_92 = arith.cmpi slt, %add3A_90, %lt3A_91 : i32
      %convert_element_type3A_93 = arith.extui %lt3A_92 : i1 to i32
      %cond3A_94 = arith.constant 0 : i32
      %cond3A_95 = arith.cmpi ne, %convert_element_type3A_93, %cond3A_94 : i32
      scf.if %cond3A_95 {
        %add3A_103 = arith.constant 2 : i32
        %add3A_104 = arith.addi %add3A_79, %add3A_103 : i32
        %dma_start3A_105 = arith.constant 0 : i32
        %dma_start3A_106 = tpu.memref_slice %arg3[%add3A, %add3A_104, %dma_start3A_105] : memref<32x80x128xi32, #tpu.memory_space<hbm>> -> memref<1x1x128xi32, #tpu.memory_space<hbm>>
        %dma_start3A_107 = tpu.memref_squeeze %dma_start3A_106 : memref<1x1x128xi32, #tpu.memory_space<hbm>> -> memref<128xi32, #tpu.memory_space<hbm>>
        %dma_start3A_108 = arith.constant 0 : i32
        %dma_start3A_109 = tpu.memref_slice %arg3[%add3A, %add3A_104, %dma_start3A_108] : memref<32x80x128xi32, #tpu.memory_space<hbm>> -> memref<1x1x128xi32, #tpu.memory_space<hbm>>
        %dma_start3A_110 = tpu.memref_squeeze %dma_start3A_109 : memref<1x1x128xi32, #tpu.memory_space<hbm>> -> memref<128xi32, #tpu.memory_space<hbm>>
        tpu.enqueue_dma source(%dma_start3A_110 : memref<128xi32, #tpu.memory_space<hbm>>) target(%arg7 : memref<128xi32, #tpu.memory_space<vmem>>) target_semaphore(%arg15 : memref<!tpu.dma_semaphore, #tpu.memory_space<semaphore_mem>>)
      } else {
      }
      "tpu.region"() ({
        %run_scoped3A = tpu.sem_alloc : memref<!tpu.dma_semaphore, #tpu.memory_space<semaphore_mem>>
        %dma_start3A_103 = arith.constant 0 : i32
        %dma_start3A_104 = arith.constant 0 : i32
        %dma_start3A_105 = tpu.memref_slice %arg16[%dma_start3A_103, %dma_start3A_104] : memref<10240x128xf32, #tpu.memory_space<vmem_shared>> -> memref<10240x128xf32, #tpu.memory_space<vmem_shared>>
        tpu.enqueue_indirect_dma source(%arg11 : memref<128x128xf32, #tpu.memory_space<vmem>>) target(%dma_start3A_105 : memref<10240x128xf32, #tpu.memory_space<vmem_shared>>) offsets(%arg9 : memref<128xi32, #tpu.memory_space<vmem>>) semaphore(%run_scoped3A : memref<!tpu.dma_semaphore, #tpu.memory_space<semaphore_mem>>) {add = true}
        %dma_wait3A_106 = arith.constant 0 : i32
        %dma_wait3A_107 = arith.constant 0 : i32
        %dma_wait3A_108 = tpu.memref_slice %arg16[%dma_wait3A_106, %dma_wait3A_107] : memref<10240x128xf32, #tpu.memory_space<vmem_shared>> -> memref<10240x128xf32, #tpu.memory_space<vmem_shared>>
        tpu.wait_indirect_dma semaphore(%run_scoped3A : memref<!tpu.dma_semaphore, #tpu.memory_space<semaphore_mem>>) src(%arg11 : memref<128x128xf32, #tpu.memory_space<vmem>>) dst(%dma_wait3A_108 : memref<10240x128xf32, #tpu.memory_space<vmem_shared>>)
        tpu.yield
      }) : () -> ()
      %add3A_96 = arith.constant 2 : i32
      %add3A_97 = arith.addi %add3A_79, %add3A_96 : i32
      %lt3A_98 = arith.constant 80 : i32
      %lt3A_99 = arith.cmpi slt, %add3A_97, %lt3A_98 : i32
      %convert_element_type3A_100 = arith.extui %lt3A_99 : i1 to i32
      %cond3A_101 = arith.constant 0 : i32
      %cond3A_102 = arith.cmpi ne, %convert_element_type3A_100, %cond3A_101 : i32
      scf.if %cond3A_102 {
        %add3A_103 = arith.constant 2 : i32
        %add3A_104 = arith.addi %add3A_79, %add3A_103 : i32
        %dma_wait3A_105 = arith.constant 0 : i32
        %dma_wait3A_106 = tpu.memref_slice %arg3[%add3A, %add3A_104, %dma_wait3A_105] : memref<32x80x128xi32, #tpu.memory_space<hbm>> -> memref<1x1x128xi32, #tpu.memory_space<hbm>>
        %dma_wait3A_107 = tpu.memref_squeeze %dma_wait3A_106 : memref<1x1x128xi32, #tpu.memory_space<hbm>> -> memref<128xi32, #tpu.memory_space<hbm>>
        %dma_wait3A_108 = arith.constant 0 : i32
        %dma_wait3A_109 = tpu.memref_slice %arg3[%add3A, %add3A_104, %dma_wait3A_108] : memref<32x80x128xi32, #tpu.memory_space<hbm>> -> memref<1x1x128xi32, #tpu.memory_space<hbm>>
        %dma_wait3A_110 = tpu.memref_squeeze %dma_wait3A_109 : memref<1x1x128xi32, #tpu.memory_space<hbm>> -> memref<128xi32, #tpu.memory_space<hbm>>
        tpu.wait_dma2 semaphore(%arg15 : memref<!tpu.dma_semaphore, #tpu.memory_space<semaphore_mem>>) src(%dma_wait3A_110 : memref<128xi32, #tpu.memory_space<hbm>>) dst(%arg7 : memref<128xi32, #tpu.memory_space<vmem>>)
        %add3A_111 = arith.constant 2 : i32
        %add3A_112 = arith.addi %add3A_79, %add3A_111 : i32
        %dma_start3A_113 = arith.constant 0 : i32
        %dma_start3A_114 = tpu.memref_slice %arg4[%add3A, %add3A_112, %dma_start3A_113] : memref<32x80x128xi32, #tpu.memory_space<hbm>> -> memref<1x1x128xi32, #tpu.memory_space<hbm>>
        %dma_start3A_115 = tpu.memref_squeeze %dma_start3A_114 : memref<1x1x128xi32, #tpu.memory_space<hbm>> -> memref<128xi32, #tpu.memory_space<hbm>>
        %dma_start3A_116 = arith.constant 0 : i32
        %dma_start3A_117 = tpu.memref_slice %arg4[%add3A, %add3A_112, %dma_start3A_116] : memref<32x80x128xi32, #tpu.memory_space<hbm>> -> memref<1x1x128xi32, #tpu.memory_space<hbm>>
        %dma_start3A_118 = tpu.memref_squeeze %dma_start3A_117 : memref<1x1x128xi32, #tpu.memory_space<hbm>> -> memref<128xi32, #tpu.memory_space<hbm>>
        tpu.enqueue_dma source(%dma_start3A_118 : memref<128xi32, #tpu.memory_space<hbm>>) target(%arg9 : memref<128xi32, #tpu.memory_space<vmem>>) target_semaphore(%arg15 : memref<!tpu.dma_semaphore, #tpu.memory_space<semaphore_mem>>)
        %dma_start3A_119 = arith.constant 0 : i32
        %dma_start3A_120 = arith.constant 0 : i32
        %dma_start3A_121 = tpu.memref_slice %arg2[%dma_start3A_119, %dma_start3A_120] : memref<10240x128xf32, #tpu.memory_space<hbm>> -> memref<10240x128xf32, #tpu.memory_space<hbm>>
        tpu.enqueue_indirect_dma source(%dma_start3A_121 : memref<10240x128xf32, #tpu.memory_space<hbm>>) target(%arg11 : memref<128x128xf32, #tpu.memory_space<vmem>>) offsets(%arg7 : memref<128xi32, #tpu.memory_space<vmem>>) semaphore(%arg13 : memref<!tpu.dma_semaphore, #tpu.memory_space<semaphore_mem>>)
      } else {
      }
    }
    %scan3A_53 = arith.constant 40 : i32
    %barrier3A_54 = arith.constant 0 : index
    tpu.barrier barrier_id(%barrier3A_54)
    "tpu.region"() ({
      %run_scoped3A = tpu.sem_alloc : memref<!tpu.dma_semaphore, #tpu.memory_space<semaphore_mem>>
      %dma_start3A_55 = arith.constant 0 : i32
      %dma_start3A_56 = tpu.memref_slice %arg5[%arg0, %mul3A_2, %dma_start3A_55] : memref<2x10240x128xf32, #tpu.memory_space<hbm>> -> memref<1x640x128xf32, #tpu.memory_space<hbm>>
      %dma_start3A_57 = tpu.memref_squeeze %dma_start3A_56 : memref<1x640x128xf32, #tpu.memory_space<hbm>> -> memref<640x128xf32, #tpu.memory_space<hbm>>
      %dma_start3A_58 = arith.constant 0 : i32
      %dma_start3A_59 = tpu.memref_slice %arg16[%mul3A_2, %dma_start3A_58] : memref<10240x128xf32, #tpu.memory_space<vmem_shared>> -> memref<640x128xf32, #tpu.memory_space<vmem_shared>>
      tpu.enqueue_dma source(%dma_start3A_59 : memref<640x128xf32, #tpu.memory_space<vmem_shared>>) target(%dma_start3A_57 : memref<640x128xf32, #tpu.memory_space<hbm>>) target_semaphore(%run_scoped3A : memref<!tpu.dma_semaphore, #tpu.memory_space<semaphore_mem>>)
      %dma_wait3A_60 = arith.constant 0 : i32
      %dma_wait3A_61 = tpu.memref_slice %arg5[%arg0, %mul3A_2, %dma_wait3A_60] : memref<2x10240x128xf32, #tpu.memory_space<hbm>> -> memref<1x640x128xf32, #tpu.memory_space<hbm>>
      %dma_wait3A_62 = tpu.memref_squeeze %dma_wait3A_61 : memref<1x640x128xf32, #tpu.memory_space<hbm>> -> memref<640x128xf32, #tpu.memory_space<hbm>>
      %dma_wait3A_63 = arith.constant 0 : i32
      %dma_wait3A_64 = tpu.memref_slice %arg16[%mul3A_2, %dma_wait3A_63] : memref<10240x128xf32, #tpu.memory_space<vmem_shared>> -> memref<640x128xf32, #tpu.memory_space<vmem_shared>>
      tpu.wait_dma2 semaphore(%run_scoped3A : memref<!tpu.dma_semaphore, #tpu.memory_space<semaphore_mem>>) src(%dma_wait3A_64 : memref<640x128xf32, #tpu.memory_space<vmem_shared>>) dst(%dma_wait3A_62 : memref<640x128xf32, #tpu.memory_space<hbm>>)
      tpu.yield
    }) : () -> ()
    return
  }
}

module attributes {stable_mosaic.version = 14 : i64} {
  func.func @_tc0_body(%arg0: i32, %arg1: memref<1024x128xf32, #tpu.memory_space<vmem>>, %arg2: memref<128x128xf32, #tpu.memory_space<vmem>>, %arg3: memref<2x1024x1xf32, #tpu.memory_space<vmem>>, %arg4: memref<1024x128xf32, #tpu.memory_space<vmem>>) attributes {dimension_semantics = [#tpu.dimension_semantics<arbitrary>], iteration_bounds = array<i64: 10>, scalar_prefetch = 0 : i64, scratch_operands = 0 : i64, tpu.core_type = #tpu.core_type<tc>, window_params = [{transform_indices = @transform_0, window_bounds = array<i64: 1024, 128>}, {pipeline_mode = #tpu.pipeline_mode<synchronous>, transform_indices = @transform_1, window_bounds = array<i64: 128, 128>}, {transform_indices = @transform_2, window_bounds = array<i64: 2, 1024, 1>}, {transform_indices = @transform_3, window_bounds = array<i64: 1024, 128>}]} {
    %get3A = arith.constant 0 : index
    %get3A_0 = arith.constant 0 : index
    %get3A_1 = arith.constant 0 : index
    %get3A_2 = vector.load %arg3[%get3A, %get3A_0, %get3A_1] : memref<2x1024x1xf32, #tpu.memory_space<vmem>>, vector<2x1024x1xf32>
    %slice3A = vector.extract_strided_slice %get3A_2 {offsets = [0, 0, 0], sizes = [1, 1024, 1], strides = [1, 1, 1]} : vector<2x1024x1xf32> to vector<1x1024x1xf32>
    %squeeze3A = vector.shape_cast %slice3A : vector<1x1024x1xf32> to vector<1024x1xf32>
    %add3A = arith.constant 1.000000e+00 : f32
    %add3A_3 = vector.broadcast %add3A : f32 to vector<1024x1xf32>
    %add3A_4 = arith.addf %add3A_3, %squeeze3A : vector<1024x1xf32>
    %slice3A_5 = vector.extract_strided_slice %get3A_2 {offsets = [1, 0, 0], sizes = [1, 1024, 1], strides = [1, 1, 1]} : vector<2x1024x1xf32> to vector<1x1024x1xf32>
    %squeeze3A_6 = vector.shape_cast %slice3A_5 : vector<1x1024x1xf32> to vector<1024x1xf32>
    %add3A_7 = arith.addf %add3A_4, %squeeze3A_6 : vector<1024x1xf32>
    %sqrt3A = math.sqrt %add3A_7 : vector<1024x1xf32>
    %div3A = arith.constant 1.000000e+00 : f32
    %div3A_8 = vector.broadcast %div3A : f32 to vector<1024x1xf32>
    %div3A_9 = arith.divf %div3A_8, %sqrt3A : vector<1024x1xf32>
    %get3A_10 = arith.constant 0 : index
    %get3A_11 = arith.constant 0 : index
    %get3A_12 = vector.load %arg1[%get3A_10, %get3A_11] : memref<1024x128xf32, #tpu.memory_space<vmem>>, vector<1024x128xf32>
    %get3A_13 = arith.constant 0 : index
    %get3A_14 = arith.constant 0 : index
    %get3A_15 = vector.load %arg2[%get3A_13, %get3A_14] : memref<128x128xf32, #tpu.memory_space<vmem>>, vector<128x128xf32>
    %dot_general3A = arith.constant dense<0.000000e+00> : vector<1024x128xf32>
    %dot_general3A_16 = tpu.matmul %get3A_12, %get3A_15, %dot_general3A {dimension_numbers = #tpu.dot_dimension_numbers<[1], [0], [0], [1], [0, 0, 1, 1], [], []>, transpose_lhs_hint = false} : vector<1024x128xf32>, vector<128x128xf32>, vector<1024x128xf32> -> vector<1024x128xf32>
    %mul3A = vector.broadcast %div3A_9 : vector<1024x1xf32> to vector<1024x128xf32>
    %mul3A_17 = arith.mulf %mul3A, %dot_general3A_16 : vector<1024x128xf32>
    %swap3A = arith.constant 0 : index
    %swap3A_18 = arith.constant 0 : index
    %swap3A_19 = vector.load %arg4[%swap3A, %swap3A_18] : memref<1024x128xf32, #tpu.memory_space<vmem>>, vector<1024x128xf32>
    tpu.vector_store %arg4[%swap3A, %swap3A_18], %mul3A_17 {strides = array<i32>} : memref<1024x128xf32, #tpu.memory_space<vmem>>, vector<1024x128xf32>,
    return
  }
  func.func @transform_0(%arg0: i32) -> (i32, i32) {
    %c0_i32 = arith.constant 0 : i32
    %c0_i32_0 = arith.constant 0 : i32
    return %arg0, %c0_i32 : i32, i32
  }
  func.func @transform_1(%arg0: i32) -> (i32, i32) {
    %c0_i32 = arith.constant 0 : i32
    %c0_i32_0 = arith.constant 0 : i32
    %c0_i32_1 = arith.constant 0 : i32
    return %c0_i32, %c0_i32_0 : i32, i32
  }
  func.func @transform_2(%arg0: i32) -> (i32, i32, i32) {
    %c0_i32 = arith.constant 0 : i32
    %c0_i32_0 = arith.constant 0 : i32
    %c0_i32_1 = arith.constant 0 : i32
    return %c0_i32, %arg0, %c0_i32_0 : i32, i32, i32
  }
  func.func @transform_3(%arg0: i32) -> (i32, i32) {
    %c0_i32 = arith.constant 0 : i32
    %c0_i32_0 = arith.constant 0 : i32
    return %arg0, %c0_i32 : i32, i32
  }
}

module attributes {stable_mosaic.version = 14 : i64} {
  func.func @_epi_body(%arg0: i32, %arg1: memref<2x1024x128xf32, #tpu.memory_space<vmem>>, %arg2: memref<1024x128xf32, #tpu.memory_space<vmem>>, %arg3: memref<2x1024x1xf32, #tpu.memory_space<vmem>>, %arg4: memref<1x128xf32, #tpu.memory_space<vmem>>, %arg5: memref<1x128xf32, #tpu.memory_space<vmem>>, %arg6: memref<1x128xf32, #tpu.memory_space<vmem>>, %arg7: memref<128x128xf32, #tpu.memory_space<vmem>>, %arg8: memref<1024x128xf32, #tpu.memory_space<vmem>>) attributes {dimension_semantics = [#tpu.dimension_semantics<arbitrary>], iteration_bounds = array<i64: 10>, scalar_prefetch = 0 : i64, scratch_operands = 0 : i64, tpu.core_type = #tpu.core_type<tc>, window_params = [{transform_indices = @transform_0, window_bounds = array<i64: 2, 1024, 128>}, {transform_indices = @transform_1, window_bounds = array<i64: 1024, 128>}, {transform_indices = @transform_2, window_bounds = array<i64: 2, 1024, 1>}, {pipeline_mode = #tpu.pipeline_mode<synchronous>, transform_indices = @transform_3, window_bounds = array<i64: 1, 128>}, {pipeline_mode = #tpu.pipeline_mode<synchronous>, transform_indices = @transform_4, window_bounds = array<i64: 1, 128>}, {pipeline_mode = #tpu.pipeline_mode<synchronous>, transform_indices = @transform_5, window_bounds = array<i64: 1, 128>}, {pipeline_mode = #tpu.pipeline_mode<synchronous>, transform_indices = @transform_6, window_bounds = array<i64: 128, 128>}, {transform_indices = @transform_7, window_bounds = array<i64: 1024, 128>}]} {
    %get3A = arith.constant 0 : index
    %get3A_0 = arith.constant 0 : index
    %get3A_1 = arith.constant 0 : index
    %get3A_2 = vector.load %arg1[%get3A, %get3A_0, %get3A_1] : memref<2x1024x128xf32, #tpu.memory_space<vmem>>, vector<2x1024x128xf32>
    %get3A_3 = arith.constant 0 : index
    %get3A_4 = arith.constant 0 : index
    %get3A_5 = vector.load %arg2[%get3A_3, %get3A_4] : memref<1024x128xf32, #tpu.memory_space<vmem>>, vector<1024x128xf32>
    %get3A_6 = arith.constant 0 : index
    %get3A_7 = arith.constant 0 : index
    %get3A_8 = arith.constant 0 : index
    %get3A_9 = vector.load %arg3[%get3A_6, %get3A_7, %get3A_8] : memref<2x1024x1xf32, #tpu.memory_space<vmem>>, vector<2x1024x1xf32>
    %get3A_10 = arith.constant 0 : index
    %get3A_11 = arith.constant 0 : index
    %get3A_12 = vector.load %arg4[%get3A_10, %get3A_11] : memref<1x128xf32, #tpu.memory_space<vmem>>, vector<1x128xf32>
    %get3A_13 = arith.constant 0 : index
    %get3A_14 = arith.constant 0 : index
    %get3A_15 = vector.load %arg5[%get3A_13, %get3A_14] : memref<1x128xf32, #tpu.memory_space<vmem>>, vector<1x128xf32>
    %get3A_16 = arith.constant 0 : index
    %get3A_17 = arith.constant 0 : index
    %get3A_18 = vector.load %arg6[%get3A_16, %get3A_17] : memref<1x128xf32, #tpu.memory_space<vmem>>, vector<1x128xf32>
    %slice3A = vector.extract_strided_slice %get3A_9 {offsets = [0, 0, 0], sizes = [1, 1024, 1], strides = [1, 1, 1]} : vector<2x1024x1xf32> to vector<1x1024x1xf32>
    %squeeze3A = vector.shape_cast %slice3A : vector<1x1024x1xf32> to vector<1024x1xf32>
    %add3A = arith.constant 1.000000e+00 : f32
    %add3A_19 = vector.broadcast %add3A : f32 to vector<1024x1xf32>
    %add3A_20 = arith.addf %add3A_19, %squeeze3A : vector<1024x1xf32>
    %slice3A_21 = vector.extract_strided_slice %get3A_9 {offsets = [1, 0, 0], sizes = [1, 1024, 1], strides = [1, 1, 1]} : vector<2x1024x1xf32> to vector<1x1024x1xf32>
    %squeeze3A_22 = vector.shape_cast %slice3A_21 : vector<1x1024x1xf32> to vector<1024x1xf32>
    %add3A_23 = arith.addf %add3A_20, %squeeze3A_22 : vector<1024x1xf32>
    %sqrt3A = math.sqrt %add3A_23 : vector<1024x1xf32>
    %div3A = arith.constant 1.000000e+00 : f32
    %div3A_24 = vector.broadcast %div3A : f32 to vector<1024x1xf32>
    %div3A_25 = arith.divf %div3A_24, %sqrt3A : vector<1024x1xf32>
    %slice3A_26 = vector.extract_strided_slice %get3A_2 {offsets = [0, 0, 0], sizes = [1, 1024, 128], strides = [1, 1, 1]} : vector<2x1024x128xf32> to vector<1x1024x128xf32>
    %squeeze3A_27 = vector.shape_cast %slice3A_26 : vector<1x1024x128xf32> to vector<1024x128xf32>
    %slice3A_28 = vector.extract_strided_slice %get3A_2 {offsets = [1, 0, 0], sizes = [1, 1024, 128], strides = [1, 1, 1]} : vector<2x1024x128xf32> to vector<1x1024x128xf32>
    %squeeze3A_29 = vector.shape_cast %slice3A_28 : vector<1x1024x128xf32> to vector<1024x128xf32>
    %add3A_30 = arith.addf %squeeze3A_27, %squeeze3A_29 : vector<1024x128xf32>
    %sub3A = arith.subf %add3A_30, %get3A_5 : vector<1024x128xf32>
    %mul3A = vector.broadcast %div3A_25 : vector<1024x1xf32> to vector<1024x128xf32>
    %mul3A_31 = arith.mulf %mul3A, %sub3A : vector<1024x128xf32>
    %add3A_32 = vector.broadcast %get3A_12 : vector<1x128xf32> to vector<1024x128xf32>
    %add3A_33 = arith.addf %mul3A_31, %add3A_32 : vector<1024x128xf32>
    %reduce_sum3A = arith.constant dense<0.000000e+00> : vector<1024xf32>
    %reduce_sum3A_34 = vector.multi_reduction <add>, %add3A_33, %reduce_sum3A [1] : vector<1024x128xf32> to vector<1024xf32>
    %broadcast_in_dim3A = vector.shape_cast %reduce_sum3A_34 : vector<1024xf32> to vector<1024x1xf32>
    %div3A_35 = arith.constant 1.280000e+02 : f32
    %div3A_36 = vector.broadcast %div3A_35 : f32 to vector<1024x1xf32>
    %div3A_37 = arith.divf %broadcast_in_dim3A, %div3A_36 : vector<1024x1xf32>
    %sub3A_38 = vector.broadcast %div3A_37 : vector<1024x1xf32> to vector<1024x128xf32>
    %sub3A_39 = arith.subf %add3A_33, %sub3A_38 : vector<1024x128xf32>
    %integer_pow3A = arith.mulf %sub3A_39, %sub3A_39 : vector<1024x128xf32>
    %reduce_sum3A_40 = arith.constant dense<0.000000e+00> : vector<1024xf32>
    %reduce_sum3A_41 = vector.multi_reduction <add>, %integer_pow3A, %reduce_sum3A_40 [1] : vector<1024x128xf32> to vector<1024xf32>
    %broadcast_in_dim3A_42 = vector.shape_cast %reduce_sum3A_41 : vector<1024xf32> to vector<1024x1xf32>
    %div3A_43 = arith.constant 1.280000e+02 : f32
    %div3A_44 = vector.broadcast %div3A_43 : f32 to vector<1024x1xf32>
    %div3A_45 = arith.divf %broadcast_in_dim3A_42, %div3A_44 : vector<1024x1xf32>
    %sub3A_46 = vector.broadcast %div3A_37 : vector<1024x1xf32> to vector<1024x128xf32>
    %sub3A_47 = arith.subf %add3A_33, %sub3A_46 : vector<1024x128xf32>
    %add3A_48 = arith.constant 9.99999974E-6 : f32
    %add3A_49 = vector.broadcast %add3A_48 : f32 to vector<1024x1xf32>
    %add3A_50 = arith.addf %div3A_45, %add3A_49 : vector<1024x1xf32>
    %sqrt3A_51 = math.sqrt %add3A_50 : vector<1024x1xf32>
    %div3A_52 = vector.broadcast %sqrt3A_51 : vector<1024x1xf32> to vector<1024x128xf32>
    %div3A_53 = arith.divf %sub3A_47, %div3A_52 : vector<1024x128xf32>
    %mul3A_54 = vector.broadcast %get3A_15 : vector<1x128xf32> to vector<1024x128xf32>
    %mul3A_55 = arith.mulf %div3A_53, %mul3A_54 : vector<1024x128xf32>
    %add3A_56 = vector.broadcast %get3A_18 : vector<1x128xf32> to vector<1024x128xf32>
    %add3A_57 = arith.addf %mul3A_55, %add3A_56 : vector<1024x128xf32>
    %max3A = arith.constant 0.000000e+00 : f32
    %max3A_58 = vector.broadcast %max3A : f32 to vector<1024x128xf32>
    %max3A_59 = arith.maximumf %add3A_57, %max3A_58 : vector<1024x128xf32>
    %get3A_60 = arith.constant 0 : index
    %get3A_61 = arith.constant 0 : index
    %get3A_62 = arith.constant 0 : index
    %get3A_63 = vector.load %arg3[%get3A_60, %get3A_61, %get3A_62] : memref<2x1024x1xf32, #tpu.memory_space<vmem>>, vector<2x1024x1xf32>
    %slice3A_64 = vector.extract_strided_slice %get3A_63 {offsets = [0, 0, 0], sizes = [1, 1024, 1], strides = [1, 1, 1]} : vector<2x1024x1xf32> to vector<1x1024x1xf32>
    %squeeze3A_65 = vector.shape_cast %slice3A_64 : vector<1x1024x1xf32> to vector<1024x1xf32>
    %add3A_66 = arith.constant 1.000000e+00 : f32
    %add3A_67 = vector.broadcast %add3A_66 : f32 to vector<1024x1xf32>
    %add3A_68 = arith.addf %add3A_67, %squeeze3A_65 : vector<1024x1xf32>
    %slice3A_69 = vector.extract_strided_slice %get3A_63 {offsets = [1, 0, 0], sizes = [1, 1024, 1], strides = [1, 1, 1]} : vector<2x1024x1xf32> to vector<1x1024x1xf32>
    %squeeze3A_70 = vector.shape_cast %slice3A_69 : vector<1x1024x1xf32> to vector<1024x1xf32>
    %add3A_71 = arith.addf %add3A_68, %squeeze3A_70 : vector<1024x1xf32>
    %sqrt3A_72 = math.sqrt %add3A_71 : vector<1024x1xf32>
    %div3A_73 = arith.constant 1.000000e+00 : f32
    %div3A_74 = vector.broadcast %div3A_73 : f32 to vector<1024x1xf32>
    %div3A_75 = arith.divf %div3A_74, %sqrt3A_72 : vector<1024x1xf32>
    %get3A_76 = arith.constant 0 : index
    %get3A_77 = arith.constant 0 : index
    %get3A_78 = vector.load %arg7[%get3A_76, %get3A_77] : memref<128x128xf32, #tpu.memory_space<vmem>>, vector<128x128xf32>
    %dot_general3A = arith.constant dense<0.000000e+00> : vector<1024x128xf32>
    %dot_general3A_79 = tpu.matmul %max3A_59, %get3A_78, %dot_general3A {dimension_numbers = #tpu.dot_dimension_numbers<[1], [0], [0], [1], [0, 0, 1, 1], [], []>, transpose_lhs_hint = false} : vector<1024x128xf32>, vector<128x128xf32>, vector<1024x128xf32> -> vector<1024x128xf32>
    %mul3A_80 = vector.broadcast %div3A_75 : vector<1024x1xf32> to vector<1024x128xf32>
    %mul3A_81 = arith.mulf %mul3A_80, %dot_general3A_79 : vector<1024x128xf32>
    %swap3A = arith.constant 0 : index
    %swap3A_82 = arith.constant 0 : index
    %swap3A_83 = vector.load %arg8[%swap3A, %swap3A_82] : memref<1024x128xf32, #tpu.memory_space<vmem>>, vector<1024x128xf32>
    tpu.vector_store %arg8[%swap3A, %swap3A_82], %mul3A_81 {strides = array<i32>} : memref<1024x128xf32, #tpu.memory_space<vmem>>, vector<1024x128xf32>,
    return
  }
  func.func @transform_0(%arg0: i32) -> (i32, i32, i32) {
    %c0_i32 = arith.constant 0 : i32
    %c0_i32_0 = arith.constant 0 : i32
    %c0_i32_1 = arith.constant 0 : i32
    return %c0_i32, %arg0, %c0_i32_0 : i32, i32, i32
  }
  func.func @transform_1(%arg0: i32) -> (i32, i32) {
    %c0_i32 = arith.constant 0 : i32
    %c0_i32_0 = arith.constant 0 : i32
    return %arg0, %c0_i32 : i32, i32
  }
  func.func @transform_2(%arg0: i32) -> (i32, i32, i32) {
    %c0_i32 = arith.constant 0 : i32
    %c0_i32_0 = arith.constant 0 : i32
    %c0_i32_1 = arith.constant 0 : i32
    return %c0_i32, %arg0, %c0_i32_0 : i32, i32, i32
  }
  func.func @transform_3(%arg0: i32) -> (i32, i32) {
    %c0_i32 = arith.constant 0 : i32
    %c0_i32_0 = arith.constant 0 : i32
    %c0_i32_1 = arith.constant 0 : i32
    return %c0_i32, %c0_i32_0 : i32, i32
  }
  func.func @transform_4(%arg0: i32) -> (i32, i32) {
    %c0_i32 = arith.constant 0 : i32
    %c0_i32_0 = arith.constant 0 : i32
    %c0_i32_1 = arith.constant 0 : i32
    return %c0_i32, %c0_i32_0 : i32, i32
  }
  func.func @transform_5(%arg0: i32) -> (i32, i32) {
    %c0_i32 = arith.constant 0 : i32
    %c0_i32_0 = arith.constant 0 : i32
    %c0_i32_1 = arith.constant 0 : i32
    return %c0_i32, %c0_i32_0 : i32, i32
  }
  func.func @transform_6(%arg0: i32) -> (i32, i32) {
    %c0_i32 = arith.constant 0 : i32
    %c0_i32_0 = arith.constant 0 : i32
    %c0_i32_1 = arith.constant 0 : i32
    return %c0_i32, %c0_i32_0 : i32, i32
  }
  func.func @transform_7(%arg0: i32) -> (i32, i32) {
    %c0_i32 = arith.constant 0 : i32
    %c0_i32_0 = arith.constant 0 : i32
    return %arg0, %c0_i32 : i32, i32
  }
}

module attributes {stable_mosaic.version = 14 : i64} {
  func.func @_fin_body(%arg0: i32, %arg1: memref<2x1024x128xf32, #tpu.memory_space<vmem>>, %arg2: memref<1024x128xf32, #tpu.memory_space<vmem>>, %arg3: memref<2x1024x1xf32, #tpu.memory_space<vmem>>, %arg4: memref<1x128xf32, #tpu.memory_space<vmem>>, %arg5: memref<1x128xf32, #tpu.memory_space<vmem>>, %arg6: memref<1x128xf32, #tpu.memory_space<vmem>>, %arg7: memref<128x64xf32, #tpu.memory_space<vmem>>, %arg8: memref<1x64xf32, #tpu.memory_space<vmem>>, %arg9: memref<64x128xf32, #tpu.memory_space<vmem>>, %arg10: memref<1x128xf32, #tpu.memory_space<vmem>>, %arg11: memref<1024x128xf32, #tpu.memory_space<vmem>>) attributes {dimension_semantics = [#tpu.dimension_semantics<arbitrary>], iteration_bounds = array<i64: 10>, scalar_prefetch = 0 : i64, scratch_operands = 0 : i64, tpu.core_type = #tpu.core_type<tc>, window_params = [{transform_indices = @transform_0, window_bounds = array<i64: 2, 1024, 128>}, {transform_indices = @transform_1, window_bounds = array<i64: 1024, 128>}, {transform_indices = @transform_2, window_bounds = array<i64: 2, 1024, 1>}, {pipeline_mode = #tpu.pipeline_mode<synchronous>, transform_indices = @transform_3, window_bounds = array<i64: 1, 128>}, {pipeline_mode = #tpu.pipeline_mode<synchronous>, transform_indices = @transform_4, window_bounds = array<i64: 1, 128>}, {pipeline_mode = #tpu.pipeline_mode<synchronous>, transform_indices = @transform_5, window_bounds = array<i64: 1, 128>}, {pipeline_mode = #tpu.pipeline_mode<synchronous>, transform_indices = @transform_6, window_bounds = array<i64: 128, 64>}, {pipeline_mode = #tpu.pipeline_mode<synchronous>, transform_indices = @transform_7, window_bounds = array<i64: 1, 64>}, {pipeline_mode = #tpu.pipeline_mode<synchronous>, transform_indices = @transform_8, window_bounds = array<i64: 64, 128>}, {pipeline_mode = #tpu.pipeline_mode<synchronous>, transform_indices = @transform_9, window_bounds = array<i64: 1, 128>}, {transform_indices = @transform_10, window_bounds = array<i64: 1024, 128>}]} {
    %get3A = arith.constant 0 : index
    %get3A_0 = arith.constant 0 : index
    %get3A_1 = arith.constant 0 : index
    %get3A_2 = vector.load %arg1[%get3A, %get3A_0, %get3A_1] : memref<2x1024x128xf32, #tpu.memory_space<vmem>>, vector<2x1024x128xf32>
    %get3A_3 = arith.constant 0 : index
    %get3A_4 = arith.constant 0 : index
    %get3A_5 = vector.load %arg2[%get3A_3, %get3A_4] : memref<1024x128xf32, #tpu.memory_space<vmem>>, vector<1024x128xf32>
    %get3A_6 = arith.constant 0 : index
    %get3A_7 = arith.constant 0 : index
    %get3A_8 = arith.constant 0 : index
    %get3A_9 = vector.load %arg3[%get3A_6, %get3A_7, %get3A_8] : memref<2x1024x1xf32, #tpu.memory_space<vmem>>, vector<2x1024x1xf32>
    %get3A_10 = arith.constant 0 : index
    %get3A_11 = arith.constant 0 : index
    %get3A_12 = vector.load %arg4[%get3A_10, %get3A_11] : memref<1x128xf32, #tpu.memory_space<vmem>>, vector<1x128xf32>
    %get3A_13 = arith.constant 0 : index
    %get3A_14 = arith.constant 0 : index
    %get3A_15 = vector.load %arg5[%get3A_13, %get3A_14] : memref<1x128xf32, #tpu.memory_space<vmem>>, vector<1x128xf32>
    %get3A_16 = arith.constant 0 : index
    %get3A_17 = arith.constant 0 : index
    %get3A_18 = vector.load %arg6[%get3A_16, %get3A_17] : memref<1x128xf32, #tpu.memory_space<vmem>>, vector<1x128xf32>
    %slice3A = vector.extract_strided_slice %get3A_9 {offsets = [0, 0, 0], sizes = [1, 1024, 1], strides = [1, 1, 1]} : vector<2x1024x1xf32> to vector<1x1024x1xf32>
    %squeeze3A = vector.shape_cast %slice3A : vector<1x1024x1xf32> to vector<1024x1xf32>
    %add3A = arith.constant 1.000000e+00 : f32
    %add3A_19 = vector.broadcast %add3A : f32 to vector<1024x1xf32>
    %add3A_20 = arith.addf %add3A_19, %squeeze3A : vector<1024x1xf32>
    %slice3A_21 = vector.extract_strided_slice %get3A_9 {offsets = [1, 0, 0], sizes = [1, 1024, 1], strides = [1, 1, 1]} : vector<2x1024x1xf32> to vector<1x1024x1xf32>
    %squeeze3A_22 = vector.shape_cast %slice3A_21 : vector<1x1024x1xf32> to vector<1024x1xf32>
    %add3A_23 = arith.addf %add3A_20, %squeeze3A_22 : vector<1024x1xf32>
    %sqrt3A = math.sqrt %add3A_23 : vector<1024x1xf32>
    %div3A = arith.constant 1.000000e+00 : f32
    %div3A_24 = vector.broadcast %div3A : f32 to vector<1024x1xf32>
    %div3A_25 = arith.divf %div3A_24, %sqrt3A : vector<1024x1xf32>
    %slice3A_26 = vector.extract_strided_slice %get3A_2 {offsets = [0, 0, 0], sizes = [1, 1024, 128], strides = [1, 1, 1]} : vector<2x1024x128xf32> to vector<1x1024x128xf32>
    %squeeze3A_27 = vector.shape_cast %slice3A_26 : vector<1x1024x128xf32> to vector<1024x128xf32>
    %slice3A_28 = vector.extract_strided_slice %get3A_2 {offsets = [1, 0, 0], sizes = [1, 1024, 128], strides = [1, 1, 1]} : vector<2x1024x128xf32> to vector<1x1024x128xf32>
    %squeeze3A_29 = vector.shape_cast %slice3A_28 : vector<1x1024x128xf32> to vector<1024x128xf32>
    %add3A_30 = arith.addf %squeeze3A_27, %squeeze3A_29 : vector<1024x128xf32>
    %sub3A = arith.subf %add3A_30, %get3A_5 : vector<1024x128xf32>
    %mul3A = vector.broadcast %div3A_25 : vector<1024x1xf32> to vector<1024x128xf32>
    %mul3A_31 = arith.mulf %mul3A, %sub3A : vector<1024x128xf32>
    %add3A_32 = vector.broadcast %get3A_12 : vector<1x128xf32> to vector<1024x128xf32>
    %add3A_33 = arith.addf %mul3A_31, %add3A_32 : vector<1024x128xf32>
    %reduce_sum3A = arith.constant dense<0.000000e+00> : vector<1024xf32>
    %reduce_sum3A_34 = vector.multi_reduction <add>, %add3A_33, %reduce_sum3A [1] : vector<1024x128xf32> to vector<1024xf32>
    %broadcast_in_dim3A = vector.shape_cast %reduce_sum3A_34 : vector<1024xf32> to vector<1024x1xf32>
    %div3A_35 = arith.constant 1.280000e+02 : f32
    %div3A_36 = vector.broadcast %div3A_35 : f32 to vector<1024x1xf32>
    %div3A_37 = arith.divf %broadcast_in_dim3A, %div3A_36 : vector<1024x1xf32>
    %sub3A_38 = vector.broadcast %div3A_37 : vector<1024x1xf32> to vector<1024x128xf32>
    %sub3A_39 = arith.subf %add3A_33, %sub3A_38 : vector<1024x128xf32>
    %integer_pow3A = arith.mulf %sub3A_39, %sub3A_39 : vector<1024x128xf32>
    %reduce_sum3A_40 = arith.constant dense<0.000000e+00> : vector<1024xf32>
    %reduce_sum3A_41 = vector.multi_reduction <add>, %integer_pow3A, %reduce_sum3A_40 [1] : vector<1024x128xf32> to vector<1024xf32>
    %broadcast_in_dim3A_42 = vector.shape_cast %reduce_sum3A_41 : vector<1024xf32> to vector<1024x1xf32>
    %div3A_43 = arith.constant 1.280000e+02 : f32
    %div3A_44 = vector.broadcast %div3A_43 : f32 to vector<1024x1xf32>
    %div3A_45 = arith.divf %broadcast_in_dim3A_42, %div3A_44 : vector<1024x1xf32>
    %sub3A_46 = vector.broadcast %div3A_37 : vector<1024x1xf32> to vector<1024x128xf32>
    %sub3A_47 = arith.subf %add3A_33, %sub3A_46 : vector<1024x128xf32>
    %add3A_48 = arith.constant 9.99999974E-6 : f32
    %add3A_49 = vector.broadcast %add3A_48 : f32 to vector<1024x1xf32>
    %add3A_50 = arith.addf %div3A_45, %add3A_49 : vector<1024x1xf32>
    %sqrt3A_51 = math.sqrt %add3A_50 : vector<1024x1xf32>
    %div3A_52 = vector.broadcast %sqrt3A_51 : vector<1024x1xf32> to vector<1024x128xf32>
    %div3A_53 = arith.divf %sub3A_47, %div3A_52 : vector<1024x128xf32>
    %mul3A_54 = vector.broadcast %get3A_15 : vector<1x128xf32> to vector<1024x128xf32>
    %mul3A_55 = arith.mulf %div3A_53, %mul3A_54 : vector<1024x128xf32>
    %add3A_56 = vector.broadcast %get3A_18 : vector<1x128xf32> to vector<1024x128xf32>
    %add3A_57 = arith.addf %mul3A_55, %add3A_56 : vector<1024x128xf32>
    %max3A = arith.constant 0.000000e+00 : f32
    %max3A_58 = vector.broadcast %max3A : f32 to vector<1024x128xf32>
    %max3A_59 = arith.maximumf %add3A_57, %max3A_58 : vector<1024x128xf32>
    %get3A_60 = arith.constant 0 : index
    %get3A_61 = arith.constant 0 : index
    %get3A_62 = vector.load %arg7[%get3A_60, %get3A_61] : memref<128x64xf32, #tpu.memory_space<vmem>>, vector<128x64xf32>
    %dot_general3A = arith.constant dense<0.000000e+00> : vector<1024x64xf32>
    %dot_general3A_63 = tpu.matmul %max3A_59, %get3A_62, %dot_general3A {dimension_numbers = #tpu.dot_dimension_numbers<[1], [0], [0], [1], [0, 0, 1, 1], [], []>, transpose_lhs_hint = false} : vector<1024x128xf32>, vector<128x64xf32>, vector<1024x64xf32> -> vector<1024x64xf32>
    %get3A_64 = arith.constant 0 : index
    %get3A_65 = arith.constant 0 : index
    %get3A_66 = vector.load %arg8[%get3A_64, %get3A_65] : memref<1x64xf32, #tpu.memory_space<vmem>>, vector<1x64xf32>
    %add3A_67 = vector.broadcast %get3A_66 : vector<1x64xf32> to vector<1024x64xf32>
    %add3A_68 = arith.addf %dot_general3A_63, %add3A_67 : vector<1024x64xf32>
    %max3A_69 = arith.constant 0.000000e+00 : f32
    %max3A_70 = vector.broadcast %max3A_69 : f32 to vector<1024x64xf32>
    %max3A_71 = arith.maximumf %add3A_68, %max3A_70 : vector<1024x64xf32>
    %get3A_72 = arith.constant 0 : index
    %get3A_73 = arith.constant 0 : index
    %get3A_74 = vector.load %arg9[%get3A_72, %get3A_73] : memref<64x128xf32, #tpu.memory_space<vmem>>, vector<64x128xf32>
    %dot_general3A_75 = arith.constant dense<0.000000e+00> : vector<1024x128xf32>
    %dot_general3A_76 = tpu.matmul %max3A_71, %get3A_74, %dot_general3A_75 {dimension_numbers = #tpu.dot_dimension_numbers<[1], [0], [0], [1], [0, 0, 1, 1], [], []>, transpose_lhs_hint = false} : vector<1024x64xf32>, vector<64x128xf32>, vector<1024x128xf32> -> vector<1024x128xf32>
    %get3A_77 = arith.constant 0 : index
    %get3A_78 = arith.constant 0 : index
    %get3A_79 = vector.load %arg10[%get3A_77, %get3A_78] : memref<1x128xf32, #tpu.memory_space<vmem>>, vector<1x128xf32>
    %add3A_80 = vector.broadcast %get3A_79 : vector<1x128xf32> to vector<1024x128xf32>
    %add3A_81 = arith.addf %dot_general3A_76, %add3A_80 : vector<1024x128xf32>
    %swap3A = arith.constant 0 : index
    %swap3A_82 = arith.constant 0 : index
    %swap3A_83 = vector.load %arg11[%swap3A, %swap3A_82] : memref<1024x128xf32, #tpu.memory_space<vmem>>, vector<1024x128xf32>
    tpu.vector_store %arg11[%swap3A, %swap3A_82], %add3A_81 {strides = array<i32>} : memref<1024x128xf32, #tpu.memory_space<vmem>>, vector<1024x128xf32>,
    return
  }
  func.func @transform_0(%arg0: i32) -> (i32, i32, i32) {
    %c0_i32 = arith.constant 0 : i32
    %c0_i32_0 = arith.constant 0 : i32
    %c0_i32_1 = arith.constant 0 : i32
    return %c0_i32, %arg0, %c0_i32_0 : i32, i32, i32
  }
  func.func @transform_1(%arg0: i32) -> (i32, i32) {
    %c0_i32 = arith.constant 0 : i32
    %c0_i32_0 = arith.constant 0 : i32
    return %arg0, %c0_i32 : i32, i32
  }
  func.func @transform_2(%arg0: i32) -> (i32, i32, i32) {
    %c0_i32 = arith.constant 0 : i32
    %c0_i32_0 = arith.constant 0 : i32
    %c0_i32_1 = arith.constant 0 : i32
    return %c0_i32, %arg0, %c0_i32_0 : i32, i32, i32
  }
  func.func @transform_3(%arg0: i32) -> (i32, i32) {
    %c0_i32 = arith.constant 0 : i32
    %c0_i32_0 = arith.constant 0 : i32
    %c0_i32_1 = arith.constant 0 : i32
    return %c0_i32, %c0_i32_0 : i32, i32
  }
  func.func @transform_4(%arg0: i32) -> (i32, i32) {
    %c0_i32 = arith.constant 0 : i32
    %c0_i32_0 = arith.constant 0 : i32
    %c0_i32_1 = arith.constant 0 : i32
    return %c0_i32, %c0_i32_0 : i32, i32
  }
  func.func @transform_5(%arg0: i32) -> (i32, i32) {
    %c0_i32 = arith.constant 0 : i32
    %c0_i32_0 = arith.constant 0 : i32
    %c0_i32_1 = arith.constant 0 : i32
    return %c0_i32, %c0_i32_0 : i32, i32
  }
  func.func @transform_6(%arg0: i32) -> (i32, i32) {
    %c0_i32 = arith.constant 0 : i32
    %c0_i32_0 = arith.constant 0 : i32
    %c0_i32_1 = arith.constant 0 : i32
    return %c0_i32, %c0_i32_0 : i32, i32
  }
  func.func @transform_7(%arg0: i32) -> (i32, i32) {
    %c0_i32 = arith.constant 0 : i32
    %c0_i32_0 = arith.constant 0 : i32
    %c0_i32_1 = arith.constant 0 : i32
    return %c0_i32, %c0_i32_0 : i32, i32
  }
  func.func @transform_8(%arg0: i32) -> (i32, i32) {
    %c0_i32 = arith.constant 0 : i32
    %c0_i32_0 = arith.constant 0 : i32
    %c0_i32_1 = arith.constant 0 : i32
    return %c0_i32, %c0_i32_0 : i32, i32
  }
  func.func @transform_9(%arg0: i32) -> (i32, i32) {
    %c0_i32 = arith.constant 0 : i32
    %c0_i32_0 = arith.constant 0 : i32
    %c0_i32_1 = arith.constant 0 : i32
    return %c0_i32, %c0_i32_0 : i32, i32
  }
  func.func @transform_10(%arg0: i32) -> (i32, i32) {
    %c0_i32 = arith.constant 0 : i32
    %c0_i32_0 = arith.constant 0 : i32
    return %arg0, %c0_i32 : i32, i32
  }
}

</mosaic_0001>

<sc_bundles>
// kernel: kernel.10.cloned.1.call-start
scs
__scs_entry_jumppad:
0x0: {  	(pc) =	sbr.rel $0x88, $3  }
0x1: {  	(tag) =	ssettag $0x0;
	lr =	simm.s32 $0x1  }
0x2: {  	[smem:$0x3F8F] =	sst lr;
	_ =	strace $0xD0000000  }
0x3: {  	_ = 	snop  }
0x4: {  	_ = 	snop  }
0x5: {  	_ = 	snop  }
0x6: {  	_ = 	snop  }
0x7: {  	_ = 	snop  }
__scs_overlays_trampoline_lowered:
0x8: {  	[smem:$0x3F9E] =	sst s0  }
0x9: {  	[smem:$0x3F9F] =	sst s1  }
0xa: {  	[smem:$0x3FA0] =	sst s2  }
0xb: {  	[smem:$0x3FA1] =	sst s3  }
0xc: {  	[smem:$0x3FA2] =	sst s4  }
0xd: {  	[smem:$0x3FA3] =	sst s5  }
0xe: {  	[smem:$0x3FA4] =	sst s6  }
0xf: {  	[smem:$0x3FA5] =	sst s7  }
0x10: {  	[smem:$0x3FA6] =	sst s8  }
0x11: {  	[smem:$0x3FA7] =	sst s9;
	s0 =	simm.s32 @!p0 $0x0  }
0x12: {  	s1 =	sld [smem:$0x3F8D];
	s0 =	simm.s32 @p0 $0x1  }
0x13: {  	[smem:$0x3FA8] =	sst s0;
	s0 =	simm.s32 @!p1 $0x0  }
0x14: {  	s2 =	sld [smem:$0x3F8C];
	s0 =	simm.s32 @p1 $0x1  }
0x15: {  	[smem:$0x3FA9] =	sst s0;
	s0 =	simm.s32 @!p2 $0x0  }
0x16: {  	s3 =	sld [smem:$0x3FDB];
	s0 =	simm.s32 @p2 $0x1  }
0x17: {  	s4 =	simm.s32 $0x1BF5;
	[smem:$0x3FAB] =	sst s0  }
0x18: {  	s0 =	sld [smem:$0x3F8E];
	_ =	swait.ge [sflag:s4], $0x0  }
0x19: {  	s7 =	sld [smem:$0x3F8F]  }
0x1a: {  	s8 =	sadd.s32 $0xFFFFE003, lr  }
0x1b: {  	s9 =	sadd.s32 $0xFFFFFEF7, lr;
	s5 =	simm.s32 $0xFFFFFFFF;
	p2 =	slt.u32 s8, $0xFFFFF086  }
0x1c: {  	p1 =	slt.u32 s9, $0xF7A;
	s5 =	simm.s32 @!p2 $0x0  }
0x1d: {  	s5 =	simm.s32 @p1 $0x1;
	p0 =	seq.s32 s7, s2  }
0x1e: {  	s7 =	smul.u32 @!p0 $0xF7A, s2;
	p2 =	seq.s32 @!p0 s5, $0x0  }
0x1f: {  	s9 =	smul.u32 $0xF7A, s1;
	s8 =	simm.s32 @!p0 $0x1BF5;
	p2 =	por !p2, p0  }
0x20: {  	[sflag:s8] =	ssyncset.s32 @!p0 $0xFFFFF086;
	s6 =	sadd.s32 @!p0 s3, s7;
	s7 =	simm.s32 @!p0 $0x108  }
0x21: {  	s3 =	sadd.s32 s3, s9;
	s6 =	sadd.s32 @!p0 $0x88, s6;
	s7 =	simm.s32 @p2 $0x1082  }
0x22: {  	[simem:s7], [sflag:s8] =	dma.local @!p0 [hbm:s6], $0xF7A  }
0x23: {  	s9 =	sor.u32 $0xD0000000, s2;
	s6 =	simm.s32 $0x108;
	_ =	swait.ge @!p0 [sflag:s8], $0x0  }
0x24: {  	s3 =	sadd.s32 $0x88, s3;
	s6 =	simm.s32 @!p1 $0x1082;
	[sflag:s4] =	ssyncset.s32 $0xFFFFF086  }
0x25: {  	[simem:s6], [sflag:s4] =	dma.local [hbm:s3], $0xF7A  }
0x26: {  	[smem:$0x3F8F] =	sst s1;
	(tag) =	ssettag s2;
	_ =	strace s9  }
0x27: {  	s1 =	sld [smem:$0x3F9F]  }
0x28: {  	s2 =	sld [smem:$0x3FA0]  }
0x29: {  	s4 =	sld [smem:$0x3FA2]  }
0x2a: {  	p0 =	seq.s32 s5, $0x0;
	s5 =	sld [smem:$0x3FA3]  }
0x2b: {  	s6 =	sld [smem:$0x3FA4]  }
0x2c: {  	s7 =	sld [smem:$0x3FA5]  }
0x2d: {  	s3 =	simm.s32 $0x108;
	s8 =	sld [smem:$0x3FA6]  }
0x2e: {  	s3 =	simm.s32 @!p0 $0x1082;
	s9 =	sld [smem:$0x3FA7]  }
0x2f: {  	lr =	sadd.s32 s0, s3;
	s0 =	sld [smem:$0x3F9E]  }
0x30: {  	s3 =	sld [smem:$0x3FA1]  }
0x31: {  	[smem:$0x3FAA] =	sst s10  }
0x32: {  	s10 =	sld [smem:$0x3FA8];
	_ =	sdelay $0x3  }
0x33: {  	p0 =	seq.s32 s10, $0x1;
	s10 =	sld [smem:$0x3FAA];
	_ =	sdelay $0x3  }
0x34: {  	[smem:$0x3FAA] =	sst s10  }
0x35: {  	s10 =	sld [smem:$0x3FA9];
	_ =	sdelay $0x3  }
0x36: {  	p1 =	seq.s32 s10, $0x1;
	s10 =	sld [smem:$0x3FAA];
	_ =	sdelay $0x3  }
0x37: {  	[smem:$0x3FAA] =	sst s10  }
0x38: {  	s10 =	sld [smem:$0x3FAB]  }
0x39: {  	_ = 	snop;
	(pc) =	sbr.ind lr, $3  }
0x3a: {  	_ = 	snop  }
0x3b: {  	_ = 	snop  }
0x3c: {  	p2 =	seq.s32 s10, $0x1;
	s10 =	sld [smem:$0x3FAA]  }
0x3d: {  	_ =	shalt  }
0x3e: {  	_ =	shalt  }
0x3f: {  	_ =	shalt  }
0x40: {  	_ =	shalt  }
0x41: {  	_ =	shalt  }
0x42: {  	_ =	shalt  }
0x43: {  	_ =	shalt  }
0x44: {  	_ =	shalt  }
0x45: {  	_ =	shalt  }
0x46: {  	_ =	shalt  }
0x47: {  	_ =	shalt  }
0x48: {  	_ =	shalt  }
0x49: {  	_ =	shalt  }
0x4a: {  	_ =	shalt  }
0x4b: {  	_ =	shalt  }
0x4c: {  	_ =	shalt  }
0x4d: {  	_ =	shalt  }
0x4e: {  	_ =	shalt  }
0x4f: {  	_ =	shalt  }
0x50: {  	_ =	shalt  }
0x51: {  	_ =	shalt  }
0x52: {  	_ =	shalt  }
0x53: {  	_ =	shalt  }
0x54: {  	_ =	shalt  }
0x55: {  	_ =	shalt  }
0x56: {  	_ =	shalt  }
0x57: {  	_ =	shalt  }
0x58: {  	_ =	shalt  }
0x59: {  	_ =	shalt  }
0x5a: {  	_ =	shalt  }
0x5b: {  	_ =	shalt  }
0x5c: {  	_ =	shalt  }
0x5d: {  	_ =	shalt  }
0x5e: {  	_ =	shalt  }
0x5f: {  	_ =	shalt  }
0x60: {  	_ =	shalt  }
0x61: {  	_ =	shalt  }
0x62: {  	_ =	shalt  }
0x63: {  	_ =	shalt  }
0x64: {  	_ =	shalt  }
0x65: {  	_ =	shalt  }
0x66: {  	_ =	shalt  }
0x67: {  	_ =	shalt  }
0x68: {  	_ =	shalt  }
0x69: {  	_ =	shalt  }
0x6a: {  	_ =	shalt  }
0x6b: {  	_ =	shalt  }
0x6c: {  	_ =	shalt  }
0x6d: {  	_ =	shalt  }
0x6e: {  	_ =	shalt  }
0x6f: {  	_ =	shalt  }
0x70: {  	_ =	shalt  }
0x71: {  	_ =	shalt  }
0x72: {  	_ =	shalt  }
0x73: {  	_ =	shalt  }
0x74: {  	_ =	shalt  }
0x75: {  	_ =	shalt  }
0x76: {  	_ =	shalt  }
0x77: {  	_ =	shalt  }
0x78: {  	_ =	shalt  }
0x79: {  	_ =	shalt  }
0x7a: {  	_ =	shalt  }
0x7b: {  	_ =	shalt  }
0x7c: {  	_ =	shalt  }
0x7d: {  	_ =	shalt  }
0x7e: {  	_ =	shalt  }
0x7f: {  	_ =	shalt  }
0x80: {  	_ =	shalt  }
0x81: {  	_ =	shalt  }
0x82: {  	_ =	shalt  }
0x83: {  	_ =	shalt  }
0x84: {  	_ =	shalt  }
0x85: {  	_ =	shalt  }
0x86: {  	_ =	shalt  }
0x87: {  	_ =	shalt  }
.Lfunc_end0:
.L_simem_size_0:
called_computation_lowered:
.L_overlay_start_0:
0x88: {  	s2 =	sld [smem:$0x3FD9]  }
0x89: {  	s3 =	sld [smem:$0x3FFE];
	_ =	sdelay $0x1  }
0x8a: {  	s1 =	srdreg.scid  }
0x8b: {  	s0 =	sand.u32 $0x1, s1  }
0x8c: {  	s17 =	sshll.u32 s0, $0xA;
	s2 =	sadd.s32 s3, s2  }
0x8d: {  	s2 =	sadd.s32 s2, s17  }
0x8e: {  	[smem:$0x3FB6] =	sst s2  }
0x8f: {  	_ = 	snop  }
0x90: {  	s2 =	sld [smem:$0x3FD0];
	(tm) =	ssettm $0x1  }
0x91: {  	s18 =	sld [smem:$0x3FFB];
	_ =	sdelay $0x3  }
0x92: {  	_ =	strace s18  }
0x93: {  	s3 =	sld [smem:$0x3FFC];
	_ =	sdelay $0x3  }
0x94: {  	_ =	strace s3  }
0x95: {  	s3 =	sld [smem:$0x3FFD];
	_ =	sdelay $0x3  }
0x96: {  	_ =	strace s3  }
0x97: {  	_ =	strace $0x8FFFFFFF  }
0x98: {  	s19 =	sld [smem:$0x3FDB];
	_ =	sdelay $0x1  }
0x99: {  	s4 =	simm.s32 $_scs_section_size  }
0x9a: {  	s5 =	simm.s32 $_size__tile_overlayer_lowered;
	s6 =	simm.s32 $_tile_overlayer_lowered  }
0x9b: {  	s22 =	simm.s32 $0x1BFF;
	s21 =	sshll.u32 s6, $0x1;
	s3 =	sadd.s32 s4, s19  }
0x9c: {  	s7 =	simm.s32 $0x0;
	s20 =	sshll.u32 s5, $0x1;
	s5 =	sadd.s32 s21, s3  }
0x9d: {  	[timem:s7], [sflag:s22] =	dma.local [hbm:s5], s20  }
0x9e: {  	_ =	swait.ge [sflag:s22], s20  }
0x9f: {  	s4 =	ssub.s32 $0x0, s20;
	[sflag:s22] =	ssyncset.done $0x0  }
0xa0: {  	[sflag:s22] =	ssyncadd.s32 s4;
	_ =	sdelay $0x1  }
0xa1: {  	s23 =	simm.s32 $0x1B8B  }
0xa2: {  	_ =	swait.ge [sflag:s23], $0x1  }
0xa3: {  	[sflag:s23] =	ssyncset.done $0x0  }
0xa4: {  	s25 =	simm.s32 $0x1B8E;
	s24 =	sld [smem:$0x3FFE];
	[sflag:s23] =	ssyncadd.s32 $0xFFFFFFFF  }
0xa5: {  	s26 =	simm.s32 $execute0_lowered;
	[smem:$0x3FD2] =	sst s25  }
0xa6: {  	s5 =	sshll.u32 s26, $0x1;
	_ =	strace $0x80000046;
	[dreg:$0x1] =	wrdreg $0xFFFFFFFF  }
0xa7: {  	s28 =	simm.s32 $_size_execute0_lowered;
	s3 =	sadd.s32 s3, s5;
	[dreg:$0x0] =	wrdreg $0x0  }
0xa8: {  	s5 =	sshll.u32 s28, $0x1;
	[dreg:$0x2] =	wrdreg s3  }
0xa9: {  	[dreg:$0x3] =	wrdreg s5  }
0xaa: {  	[dreg:$0x4] =	wrdreg $0xC0  }
0xab: {  	_ =	task [dreg:s7], $0x5FFFF  }
0xac: {  	[dreg:$0x1] =	wrdreg $0xFFFFFFFF  }
0xad: {  	[dreg:$0x0] =	wrdreg $0x60  }
0xae: {  	[dreg:$0x2] =	wrdreg s24  }
0xaf: {  	[dreg:$0x3] =	wrdreg s2  }
0xb0: {  	[dreg:$0x4] =	wrdreg $0x40800  }
0xb1: {  	[dreg:$0x5] =	wrdreg $0x9  }
0xb2: {  	_ =	task.clear_ibuf [dreg:s7], $0x6FFFF;
	_ =	strace $0x90000046  }
0xb3: {  	s29 =	simm.s32 $0x9;
	_ =	strace $0x80000048  }
0xb4: {  	_ =	swait.ge [sflag:s29], $0x1  }
0xb5: {  	[sflag:s29] =	ssyncadd.s32 $0xFFFFFFFF  }
0xb6: {  	_ =	strace $0x90000048  }
0xb7: {  	_ =	sfence  }
0xb8: {  	s30 =	sld [smem:$0x0];
	_ =	sdelay $0x2  }
0xb9: {  	s31 =	sshll.u32 s1, $0xD;
	s1 =	sshrl.u32 s1, $0x2  }
0xba: {  	s3 =	sand.u32 $0x4000, s31;
	s1 =	sadd.s32 s1, s30  }
0xbb: {  	s0 =	sor.u32 s3, s0;
	s1 =	sshll.u32 s1, $0x11  }
0xbc: {  	s0 =	sor.u32 s1, s0  }
0xbd: {  	s0 =	sadd.s32 $0x8F2B, s0  }
0xbe: {  	[sflag:s0] =	ssyncadd.remote.s32 $0x1  }
0xbf: {  	_ =	sfence.sel $0xFFFF  }
0xc0: {  	[dreg:$0x0] =	wrdreg $0xFFFFFFFF;
	(pc) =	sbr.abs _section_cstart, $3  }
0xc1: {  	[dreg:$0x1] =	wrdreg $0xFFFFFFFF  }
0xc2: {  	_ =	task.clear_ibuf [dreg:s7], $0x2FFFF;
	_ =	strace $0x9FFFFFFF  }
0xc3: {  	(tm) =	ssettm $0x7FFFFFFF  }
tec
execute0_lowered:
.L_overlay_start_1:
0x0: {  	(tag) =	ssettag $0x1  }
0x1: {  	s7 =	rddreg [dreg:$0x0]  }
0x2: {  	s2 =	rddreg [dreg:$0x1]  }
0x3: {  	s0 =	srdreg.scid;
	s3 =	rddreg [dreg:$0x2]  }
0x4: {  	s1 =	stileid.u32;
	s4 =	simm.s32 $0x0;
	s14 =	simm.s32 $0x0  }
0x5: {  	s8 =	sand.u32 $0x1, s0;
	s0 =	rddreg [dreg:$0x3];
	s6 =	smul.u32 $0x14000, s1  }
0x6: {  	[smem:$0x7FF] =	sst s4;
	s10 =	smul.u32 $0x50000, s1;
	s12 =	sshll.u32 s1, $0x6  }
0x7: {  	s5 =	smul.u32 $0x140000, s8;
	_ =	strace $0x80000047;
	s30 =	ssub.s32 $0x2, s8  }
0x8: {  	s8 =	sshll.u32 s8, $0x4;
	s12 =	sor.u32 $0x1C01, s12;
	s11 =	sshrl.u32 s30, $0x1  }
0x9: {  	s10 =	sshrl.u32 s10, $0x2;
	s31 =	sor.u32 s1, s8;
	s6 =	sadd.s32 s6, s5  }
0xa: {  	s5 =	sadd.s32 $0x4A00, s7;
	s11 =	ssub.s32 s30, s11;
	s13 =	sadd.s32 s10, s3  }
0xb: {  	s10 =	simm.s32 $0x80;
	s9 =	sshrl.u32 s6, $0x3;
	s6 =	sadd.s32 $0xEA00, s7  }
0xc: {  	s13 =	sshrl.u32 s13, $0x3;
	s9 =	sadd.s32 s9, s7;
	s7 =	smul.u32 $0x2800, s31  }
0xd: {  	s8 =	sadd.s32 $0x11200, s9;
	s9 =	smax.u32 s11, $0x1;
	s11 =	simm.s32 $0x1  }
.LBB2_1:
0xe: {  	[tilespmem:s10], [sflag:$0x1] =	stream.linear.gather [hbm4b:s2+s4], $0x4000, $0x38;
	[tilespmem:$0x18080] =	vst v63  }
0xf: {  	_ =	swait.ge [sflag:s11], $0x4000  }
0x10: {  	[sflag:s11] =	ssyncset.done $0x0  }
0x11: {  	s15 =	sand.u32 $0x3C00, s4;
	[sflag:s11] =	ssyncadd.s32 $0xFFFFC000  }
0x12: {  	[spmem:s13], [sflag:s12] =	dma.local [hbm:s6], $0x2800  }
0x13: {  	s16 =	sand.u32 $0x380, s4;
	s15 =	sadd.s32 s7, s15;
	_ =	swait.ge [sflag:s11], $0x2800  }
0x14: {  	s15 =	sor.u32 s16, s15;
	[sflag:s11] =	ssyncset.done $0x0  }
0x15: {  	s15 =	sshrl.u32 s15, $0x3;
	[sflag:s11] =	ssyncadd.s32 $0xFFFFD800  }
0x16: {  	s15 =	sadd.s32 s5, s15;
	[bflag:$0x0] =	sbarrier.arrive $0xFFFF  }
0x17: {  	[tilespmem:s4], [sflag:$0x1] =	stream.linear.gather [hbm4b:s15+s4], $0x80, $0x38;
	[tilespmem:$0x18080] =	vst v63  }
0x18: {  	_ =	swait.ge [sflag:s11], $0x80  }
0x19: {  	s30 =	simm.s32 $0x80;
	[sflag:s11] =	ssyncset.done $0x0  }
0x1a: {  	s31 =	sand.u32 $0x3C00, s30;
	[sflag:s11] =	ssyncadd.s32 $0xFFFFFF80  }
0x1b: {  	[spmem:s3] =	stream.indirect.scatter.add.f32 [tilespmem:s10], [sflag:$0x1], $0x80, s4, s10, $0xb8;
	[tilespmem:$0x18080] =	vst v63  }
0x1c: {  	s17 =	sand.u32 $0x380, s30;
	s16 =	sadd.s32 s7, s31;
	_ =	swait.ge [sflag:s11], $0x4000  }
0x1d: {  	s16 =	sor.u32 s17, s16;
	s15 =	simm.s32 $0x100;
	[sflag:s11] =	ssyncset.done $0x0  }
.LBB2_2:
0x1e: {  	s16 =	sshrl.u32 s16, $0x3  }
0x1f: {  	[sflag:s11] =	ssyncadd.s32 $0xFFFFC000;
	s17 =	smov.u32 s15;
	s18 =	sadd.s32 $0x80, s15  }
0x20: {  	p0 =	sne.s32 s15, $0x2780;
	s15 =	sadd.s32 s5, s16  }
0x21: {  	[tilespmem:s4], [sflag:$0x1] =	stream.linear.gather [hbm4b:s15+s4], $0x80, $0x38;
	[tilespmem:$0x18080] =	vst v63  }
0x22: {  	_ =	swait.ge [sflag:s11], $0x80  }
.Ltmp0:
0x23: {  	[sflag:s11] =	ssyncset.done $0x0;
	(pc) =	sbr.rel @p0 .LBB2_2-.Ltmp0, $4  }
0x24: {  	s15 =	sand.u32 $0x3C00, s17;
	[sflag:s11] =	ssyncadd.s32 $0xFFFFFF80  }
0x25: {  	[spmem:s3] =	stream.indirect.scatter.add.f32 [tilespmem:s10], [sflag:$0x1], $0x80, s4, s10, $0xb8;
	[tilespmem:$0x18080] =	vst v63  }
0x26: {  	s16 =	sand.u32 $0x380, s17;
	s15 =	sadd.s32 s7, s15;
	_ =	swait.ge [sflag:s11], $0x4000  }
0x27: {  	s16 =	sor.u32 s16, s15;
	s15 =	smov.u32 s18;
	[sflag:s11] =	ssyncset.done $0x0  }
0x28: {  	s15 =	sshrl.u32 s16, $0x3  }
0x29: {  	[sflag:s11] =	ssyncadd.s32 $0xFFFFC000;
	s15 =	sadd.s32 s5, s15  }
0x2a: {  	[tilespmem:s4], [sflag:$0x1] =	stream.linear.gather [hbm4b:s15+s4], $0x80, $0x38;
	[tilespmem:$0x18080] =	vst v63  }
0x2b: {  	_ =	swait.ge [sflag:s11], $0x80  }
0x2c: {  	[sflag:s11] =	ssyncset.done $0x0  }
0x2d: {  	[sflag:s11] =	ssyncadd.s32 $0xFFFFFF80  }
0x2e: {  	[spmem:s3] =	stream.indirect.scatter.add.f32 [tilespmem:s10], [sflag:$0x1], $0x80, s4, s10, $0xb8;
	[tilespmem:$0x18080] =	vst v63  }
0x2f: {  	_ =	swait.ge [sflag:s11], $0x4000  }
0x30: {  	s14 =	sadd.s32 $0x1, s14;
	[sflag:s11] =	ssyncset.done $0x0  }
0x31: {  	p0 =	sne.s32 s14, s9;
	[sflag:s11] =	ssyncadd.s32 $0xFFFFC000  }
.Ltmp1:
0x32: {  	[bflag:$0x0] =	sbarrier.arrive $0xFFFF;
	(pc) =	sbr.rel @p0 .LBB2_1-.Ltmp1, $4  }
0x33: {  	[hbm:s8], [sflag:s12] =	dma.local [spmem:s13], $0x2800  }
0x34: {  	_ =	swait.ge [sflag:s11], $0x2800  }
0x35: {  	[sflag:s11] =	ssyncset.done $0x0  }
0x36: {  	[sflag:s11] =	ssyncadd.s32 $0xFFFFD800  }
0x37: {  	_ =	sfence.sel $0x180000  }
0x38: {  	[bflag:$0x0] =	sbarrier.arrive $0xFFFF  }
0x39: {  	p0 =	sne.s32 s1, $0x0;
	_ =	strace $0x90000047  }
0x3a: {  	s0 =	sadd.s32 @!p0 $0x100000, s0;
	[bflag:$0x2] =	sbarrier.arrive $0xFFFF  }
0x3b: {  	[sflag:s0] =	ssyncadd.tile.s32 @!p0 $0x1;
	_ =	shalt  }
.Lfunc_end2:
_tile_overlayer_lowered:
.L_overlay_start_2:
0x3c: {  	(tag) =	ssettag $0x2  }
0x3d: {  	s0 =	rddreg [dreg:$0x0];
	s2 =	stileid.u32  }
0x3e: {  	s1 =	rddreg [dreg:$0x1];
	p0 =	sne.s32 s2, $0x0  }
0x3f: {  	s3 =	rddreg [dreg:$0x2];
	[bflag:$0x3] =	sbarrier.arrive $0xFFFF;
	s2 =	simm.s32 @!p0 $0x1C01  }
0x40: {  	[timem:s3], [sflag:s2] =	dma.local @!p0 [hbm:s0], s1  }
0x41: {  	s0 =	simm.s32 @!p0 $0x1  }
0x42: {  	_ =	swait.ge @!p0 [sflag:s0], s1  }
0x43: {  	s1 =	ssub.s32 @!p0 $0x0, s1;
	[sflag:s0] =	ssyncset.done @!p0 $0x0  }
0x44: {  	[sflag:s0] =	ssyncadd.s32 @!p0 s1  }
0x45: {  	[bflag:$0x3] =	sbarrier.arrive $0xFFFF  }
0x46: {  	_ =	shalt  }

// kernel: kernel.13.cloned.1.call-start
scs
__scs_entry_jumppad:
0x0: {  	(pc) =	sbr.rel $0x88, $3  }
0x1: {  	(tag) =	ssettag $0x0;
	lr =	simm.s32 $0x1  }
0x2: {  	[smem:$0x3F8F] =	sst lr;
	_ =	strace $0xD0000000  }
0x3: {  	_ = 	snop  }
0x4: {  	_ = 	snop  }
0x5: {  	_ = 	snop  }
0x6: {  	_ = 	snop  }
0x7: {  	_ = 	snop  }
__scs_overlays_trampoline_lowered:
0x8: {  	[smem:$0x3F9E] =	sst s0  }
0x9: {  	[smem:$0x3F9F] =	sst s1  }
0xa: {  	[smem:$0x3FA0] =	sst s2  }
0xb: {  	[smem:$0x3FA1] =	sst s3  }
0xc: {  	[smem:$0x3FA2] =	sst s4  }
0xd: {  	[smem:$0x3FA3] =	sst s5  }
0xe: {  	[smem:$0x3FA4] =	sst s6  }
0xf: {  	[smem:$0x3FA5] =	sst s7  }
0x10: {  	[smem:$0x3FA6] =	sst s8  }
0x11: {  	[smem:$0x3FA7] =	sst s9;
	s0 =	simm.s32 @!p0 $0x0  }
0x12: {  	s1 =	sld [smem:$0x3F8D];
	s0 =	simm.s32 @p0 $0x1  }
0x13: {  	[smem:$0x3FA8] =	sst s0;
	s0 =	simm.s32 @!p1 $0x0  }
0x14: {  	s2 =	sld [smem:$0x3F8C];
	s0 =	simm.s32 @p1 $0x1  }
0x15: {  	[smem:$0x3FA9] =	sst s0;
	s0 =	simm.s32 @!p2 $0x0  }
0x16: {  	s3 =	sld [smem:$0x3FDB];
	s0 =	simm.s32 @p2 $0x1  }
0x17: {  	s4 =	simm.s32 $0x1BF5;
	[smem:$0x3FAB] =	sst s0  }
0x18: {  	s0 =	sld [smem:$0x3F8E];
	_ =	swait.ge [sflag:s4], $0x0  }
0x19: {  	s7 =	sld [smem:$0x3F8F]  }
0x1a: {  	s8 =	sadd.s32 $0xFFFFE003, lr  }
0x1b: {  	s9 =	sadd.s32 $0xFFFFFEF7, lr;
	s5 =	simm.s32 $0xFFFFFFFF;
	p2 =	slt.u32 s8, $0xFFFFF086  }
0x1c: {  	p1 =	slt.u32 s9, $0xF7A;
	s5 =	simm.s32 @!p2 $0x0  }
0x1d: {  	s5 =	simm.s32 @p1 $0x1;
	p0 =	seq.s32 s7, s2  }
0x1e: {  	s7 =	smul.u32 @!p0 $0xF7A, s2;
	p2 =	seq.s32 @!p0 s5, $0x0  }
0x1f: {  	s9 =	smul.u32 $0xF7A, s1;
	s8 =	simm.s32 @!p0 $0x1BF5;
	p2 =	por !p2, p0  }
0x20: {  	[sflag:s8] =	ssyncset.s32 @!p0 $0xFFFFF086;
	s6 =	sadd.s32 @!p0 s3, s7;
	s7 =	simm.s32 @!p0 $0x108  }
0x21: {  	s3 =	sadd.s32 s3, s9;
	s6 =	sadd.s32 @!p0 $0x88, s6;
	s7 =	simm.s32 @p2 $0x1082  }
0x22: {  	[simem:s7], [sflag:s8] =	dma.local @!p0 [hbm:s6], $0xF7A  }
0x23: {  	s9 =	sor.u32 $0xD0000000, s2;
	s6 =	simm.s32 $0x108;
	_ =	swait.ge @!p0 [sflag:s8], $0x0  }
0x24: {  	s3 =	sadd.s32 $0x88, s3;
	s6 =	simm.s32 @!p1 $0x1082;
	[sflag:s4] =	ssyncset.s32 $0xFFFFF086  }
0x25: {  	[simem:s6], [sflag:s4] =	dma.local [hbm:s3], $0xF7A  }
0x26: {  	[smem:$0x3F8F] =	sst s1;
	(tag) =	ssettag s2;
	_ =	strace s9  }
0x27: {  	s1 =	sld [smem:$0x3F9F]  }
0x28: {  	s2 =	sld [smem:$0x3FA0]  }
0x29: {  	s4 =	sld [smem:$0x3FA2]  }
0x2a: {  	p0 =	seq.s32 s5, $0x0;
	s5 =	sld [smem:$0x3FA3]  }
0x2b: {  	s6 =	sld [smem:$0x3FA4]  }
0x2c: {  	s7 =	sld [smem:$0x3FA5]  }
0x2d: {  	s3 =	simm.s32 $0x108;
	s8 =	sld [smem:$0x3FA6]  }
0x2e: {  	s3 =	simm.s32 @!p0 $0x1082;
	s9 =	sld [smem:$0x3FA7]  }
0x2f: {  	lr =	sadd.s32 s0, s3;
	s0 =	sld [smem:$0x3F9E]  }
0x30: {  	s3 =	sld [smem:$0x3FA1]  }
0x31: {  	[smem:$0x3FAA] =	sst s10  }
0x32: {  	s10 =	sld [smem:$0x3FA8];
	_ =	sdelay $0x3  }
0x33: {  	p0 =	seq.s32 s10, $0x1;
	s10 =	sld [smem:$0x3FAA];
	_ =	sdelay $0x3  }
0x34: {  	[smem:$0x3FAA] =	sst s10  }
0x35: {  	s10 =	sld [smem:$0x3FA9];
	_ =	sdelay $0x3  }
0x36: {  	p1 =	seq.s32 s10, $0x1;
	s10 =	sld [smem:$0x3FAA];
	_ =	sdelay $0x3  }
0x37: {  	[smem:$0x3FAA] =	sst s10  }
0x38: {  	s10 =	sld [smem:$0x3FAB]  }
0x39: {  	_ = 	snop;
	(pc) =	sbr.ind lr, $3  }
0x3a: {  	_ = 	snop  }
0x3b: {  	_ = 	snop  }
0x3c: {  	p2 =	seq.s32 s10, $0x1;
	s10 =	sld [smem:$0x3FAA]  }
0x3d: {  	_ =	shalt  }
0x3e: {  	_ =	shalt  }
0x3f: {  	_ =	shalt  }
0x40: {  	_ =	shalt  }
0x41: {  	_ =	shalt  }
0x42: {  	_ =	shalt  }
0x43: {  	_ =	shalt  }
0x44: {  	_ =	shalt  }
0x45: {  	_ =	shalt  }
0x46: {  	_ =	shalt  }
0x47: {  	_ =	shalt  }
0x48: {  	_ =	shalt  }
0x49: {  	_ =	shalt  }
0x4a: {  	_ =	shalt  }
0x4b: {  	_ =	shalt  }
0x4c: {  	_ =	shalt  }
0x4d: {  	_ =	shalt  }
0x4e: {  	_ =	shalt  }
0x4f: {  	_ =	shalt  }
0x50: {  	_ =	shalt  }
0x51: {  	_ =	shalt  }
0x52: {  	_ =	shalt  }
0x53: {  	_ =	shalt  }
0x54: {  	_ =	shalt  }
0x55: {  	_ =	shalt  }
0x56: {  	_ =	shalt  }
0x57: {  	_ =	shalt  }
0x58: {  	_ =	shalt  }
0x59: {  	_ =	shalt  }
0x5a: {  	_ =	shalt  }
0x5b: {  	_ =	shalt  }
0x5c: {  	_ =	shalt  }
0x5d: {  	_ =	shalt  }
0x5e: {  	_ =	shalt  }
0x5f: {  	_ =	shalt  }
0x60: {  	_ =	shalt  }
0x61: {  	_ =	shalt  }
0x62: {  	_ =	shalt  }
0x63: {  	_ =	shalt  }
0x64: {  	_ =	shalt  }
0x65: {  	_ =	shalt  }
0x66: {  	_ =	shalt  }
0x67: {  	_ =	shalt  }
0x68: {  	_ =	shalt  }
0x69: {  	_ =	shalt  }
0x6a: {  	_ =	shalt  }
0x6b: {  	_ =	shalt  }
0x6c: {  	_ =	shalt  }
0x6d: {  	_ =	shalt  }
0x6e: {  	_ =	shalt  }
0x6f: {  	_ =	shalt  }
0x70: {  	_ =	shalt  }
0x71: {  	_ =	shalt  }
0x72: {  	_ =	shalt  }
0x73: {  	_ =	shalt  }
0x74: {  	_ =	shalt  }
0x75: {  	_ =	shalt  }
0x76: {  	_ =	shalt  }
0x77: {  	_ =	shalt  }
0x78: {  	_ =	shalt  }
0x79: {  	_ =	shalt  }
0x7a: {  	_ =	shalt  }
0x7b: {  	_ =	shalt  }
0x7c: {  	_ =	shalt  }
0x7d: {  	_ =	shalt  }
0x7e: {  	_ =	shalt  }
0x7f: {  	_ =	shalt  }
0x80: {  	_ =	shalt  }
0x81: {  	_ =	shalt  }
0x82: {  	_ =	shalt  }
0x83: {  	_ =	shalt  }
0x84: {  	_ =	shalt  }
0x85: {  	_ =	shalt  }
0x86: {  	_ =	shalt  }
0x87: {  	_ =	shalt  }
.Lfunc_end0:
.L_simem_size_0:
called_computation.1_lowered:
.L_overlay_start_0:
0x88: {  	s2 =	sld [smem:$0x3FD9]  }
0x89: {  	s3 =	sld [smem:$0x3FFE];
	_ =	sdelay $0x1  }
0x8a: {  	s1 =	srdreg.scid  }
0x8b: {  	s0 =	sand.u32 $0x1, s1  }
0x8c: {  	s16 =	sshll.u32 s0, $0xA;
	s2 =	sadd.s32 s3, s2  }
0x8d: {  	s2 =	sadd.s32 s2, s16  }
0x8e: {  	[smem:$0x3FB6] =	sst s2  }
0x8f: {  	_ = 	snop  }
0x90: {  	(tm) =	ssettm $0x1  }
0x91: {  	s17 =	sld [smem:$0x3FFB];
	_ =	sdelay $0x3  }
0x92: {  	_ =	strace s17  }
0x93: {  	s2 =	sld [smem:$0x3FFC];
	_ =	sdelay $0x3  }
0x94: {  	_ =	strace s2  }
0x95: {  	s2 =	sld [smem:$0x3FFD];
	_ =	sdelay $0x3  }
0x96: {  	_ =	strace s2  }
0x97: {  	_ =	strace $0x8FFFFFFF  }
0x98: {  	s18 =	sld [smem:$0x3FDB];
	_ =	sdelay $0x1  }
0x99: {  	s19 =	simm.s32 $_scs_section_size  }
0x9a: {  	s4 =	simm.s32 $_size__tile_overlayer_lowered;
	s5 =	simm.s32 $_tile_overlayer_lowered  }
0x9b: {  	s22 =	simm.s32 $0x1BFF;
	s21 =	sshll.u32 s5, $0x1;
	s2 =	sadd.s32 s19, s18  }
0x9c: {  	s6 =	simm.s32 $0x0;
	s20 =	sshll.u32 s4, $0x1;
	s4 =	sadd.s32 s21, s2  }
0x9d: {  	[timem:s6], [sflag:s22] =	dma.local [hbm:s4], s20  }
0x9e: {  	_ =	swait.ge [sflag:s22], s20  }
0x9f: {  	s3 =	ssub.s32 $0x0, s20;
	[sflag:s22] =	ssyncset.done $0x0  }
0xa0: {  	[sflag:s22] =	ssyncadd.s32 s3;
	_ =	sdelay $0x1  }
0xa1: {  	s23 =	simm.s32 $0x1B8B  }
0xa2: {  	_ =	swait.ge [sflag:s23], $0x1  }
0xa3: {  	[sflag:s23] =	ssyncset.done $0x0  }
0xa4: {  	s25 =	simm.s32 $0x1B8E;
	s24 =	sld [smem:$0x3FFE];
	[sflag:s23] =	ssyncadd.s32 $0xFFFFFFFF  }
0xa5: {  	s26 =	simm.s32 $execute0_lowered;
	[smem:$0x3FD2] =	sst s25  }
0xa6: {  	s4 =	sshll.u32 s26, $0x1;
	_ =	strace $0x80000049;
	[dreg:$0x1] =	wrdreg $0xFFFFFFFF  }
0xa7: {  	s28 =	simm.s32 $_size_execute0_lowered;
	s2 =	sadd.s32 s2, s4;
	[dreg:$0x0] =	wrdreg $0x0  }
0xa8: {  	s4 =	sshll.u32 s28, $0x1;
	[dreg:$0x2] =	wrdreg s2  }
0xa9: {  	[dreg:$0x3] =	wrdreg s4  }
0xaa: {  	[dreg:$0x4] =	wrdreg $0xC0  }
0xab: {  	_ =	task [dreg:s6], $0x5FFFF  }
0xac: {  	[dreg:$0x1] =	wrdreg $0xFFFFFFFF  }
0xad: {  	[dreg:$0x0] =	wrdreg $0x60  }
0xae: {  	[dreg:$0x2] =	wrdreg s24  }
0xaf: {  	[dreg:$0x3] =	wrdreg $0x82000  }
0xb0: {  	[dreg:$0x4] =	wrdreg $0x9  }
0xb1: {  	_ =	task.clear_ibuf [dreg:s6], $0x5FFFF;
	_ =	strace $0x90000049  }
0xb2: {  	s29 =	simm.s32 $0x9;
	_ =	strace $0x8000004B  }
0xb3: {  	_ =	swait.ge [sflag:s29], $0x1  }
0xb4: {  	[sflag:s29] =	ssyncadd.s32 $0xFFFFFFFF  }
0xb5: {  	_ =	strace $0x9000004B  }
0xb6: {  	_ =	sfence  }
0xb7: {  	s30 =	sld [smem:$0x0];
	_ =	sdelay $0x2  }
0xb8: {  	s31 =	sshll.u32 s1, $0xD;
	s1 =	sshrl.u32 s1, $0x2  }
0xb9: {  	s3 =	sand.u32 $0x4000, s31;
	s1 =	sadd.s32 s1, s30  }
0xba: {  	s0 =	sor.u32 s3, s0;
	s1 =	sshll.u32 s1, $0x11  }
0xbb: {  	s0 =	sor.u32 s1, s0  }
0xbc: {  	s0 =	sadd.s32 $0x8F2B, s0  }
0xbd: {  	[sflag:s0] =	ssyncadd.remote.s32 $0x1  }
0xbe: {  	_ =	sfence.sel $0xFFFF  }
0xbf: {  	[dreg:$0x0] =	wrdreg $0xFFFFFFFF;
	(pc) =	sbr.abs _section_cstart, $3  }
0xc0: {  	[dreg:$0x1] =	wrdreg $0xFFFFFFFF  }
0xc1: {  	_ =	task.clear_ibuf [dreg:s6], $0x2FFFF;
	_ =	strace $0x9FFFFFFF  }
0xc2: {  	(tm) =	ssettm $0x7FFFFFFF  }
0xc3: {  	_ =	shalt  }
tec
execute0_lowered:
.L_overlay_start_1:
0x0: {  	(tag) =	ssettag $0x1  }
0x1: {  	s8 =	rddreg [dreg:$0x0]  }
0x2: {  	s2 =	rddreg [dreg:$0x1];
	s3 =	simm.s32 $0x0  }
0x3: {  	s4 =	srdreg.scid;
	s0 =	stileid.u32;
	s17 =	simm.s32 $0x5  }
0x4: {  	s18 =	simm.s32 $0x3;
	s20 =	simm.s32 $0x80;
	s22 =	simm.s32 $0x4  }
0x5: {  	s23 =	simm.s32 $0x4200;
	s28 =	simm.s32 $0x0;
	[smem:$0x7FF] =	sst s3  }
0x6: {  	s7 =	sand.u32 $0x1, s4;
	s9 =	smul.u32 $0x14000, s0;
	s4 =	sadd.s32 $0x6B200, s8  }
0x7: {  	s5 =	sadd.s32 $0x61200, s8;
	s6 =	sadd.s32 $0x4A00, s8;
	s11 =	smul.u32 $0x50000, s0  }
0x8: {  	s29 =	sshll.u32 s0, $0x6;
	_ =	strace $0x8000004A;
	s12 =	sshll.u32 s7, $0x4  }
0x9: {  	s10 =	smul.u32 $0x140000, s7;
	s13 =	ssub.s32 $0x2, s7;
	s24 =	sor.u32 s0, s12  }
0xa: {  	s25 =	sshrl.u32 s13, $0x1;
	s11 =	sshrl.u32 s11, $0x2;
	s26 =	sshrl.u32 s9, $0x3  }
0xb: {  	s10 =	sadd.s32 s9, s10;
	s7 =	smul.u32 $0x2800, s24;
	s15 =	ssub.s32 s13, s25  }
0xc: {  	s16 =	sadd.s32 s11, s2;
	s9 =	sor.u32 $0x1C05, s29;
	s24 =	simm.s32 $0x1  }
.Ltmp0:
0xd: {  	s25 =	simm.s32 $0x2;
	s10 =	sshrl.u32 s10, $0x3;
	(pc) =	sbr.rel .LBB2_1-.Ltmp0, $4  }
0xe: {  	s15 =	smax.u32 s15, $0x1;
	s16 =	sshrl.u32 s16, $0x3;
	s14 =	sadd.s32 s10, s8  }
0xf: {  	s30 =	sshrl.u32 s7, $0x3;
	s8 =	sadd.s32 s4, s26;
	s26 =	simm.s32 $0x180  }
0x10: {  	s31 =	sor.u32 $0x10, s30;
	s10 =	sadd.s32 s5, s30;
	s11 =	sadd.s32 s6, s30  }
0x11: {  	s14 =	sadd.s32 $0x93200, s14;
	s12 =	sadd.s32 s5, s31;
	s13 =	sadd.s32 s6, s31  }
.LBB2_4:
0x12: {  	[spmem:s2] =	stream.indirect.scatter.add.f32 [tilespmem:s23], [sflag:$0x5], $0x80, s26, s20, $0xb8;
	[tilespmem:$0x1C200] =	vst v63  }
0x13: {  	_ =	swait.ge [sflag:s17], $0x4000  }
0x14: {  	s28 =	sadd.s32 $0x1, s28;
	[sflag:s17] =	ssyncset.done $0x0  }
0x15: {  	p0 =	sne.s32 s28, s15;
	[sflag:s17] =	ssyncadd.s32 $0xFFFFC000  }
.Ltmp1:
0x16: {  	[bflag:$0x0] =	sbarrier.arrive $0xFFFF;
	(pc) =	sbr.rel @!p0 .LBB2_5-.Ltmp1, $4  }
0x17: {  	[hbm:s14], [sflag:s9] =	dma.local [spmem:s16], $0x2800  }
0x18: {  	_ =	swait.ge [sflag:s17], $0x2800  }
0x19: {  	[sflag:s17] =	ssyncset.done $0x0  }
0x1a: {  	[sflag:s17] =	ssyncadd.s32 $0xFFFFD800  }
.LBB2_1:
0x1b: {  	[spmem:s16], [sflag:s9] =	dma.local [hbm:s8], $0x2800  }
0x1c: {  	_ =	swait.ge [sflag:s17], $0x2800  }
0x1d: {  	[sflag:s17] =	ssyncset.done $0x0  }
0x1e: {  	[sflag:s17] =	ssyncadd.s32 $0xFFFFD800  }
0x1f: {  	[bflag:$0x0] =	sbarrier.arrive $0xFFFF  }
0x20: {  	[tilespmem:s3], [sflag:$0x3] =	stream.linear.gather [hbm4b:s10+s3], $0x80, $0x38;
	[tilespmem:$0x1C200] =	vst v63  }
0x21: {  	_ =	swait.ge [sflag:s18], $0x80  }
0x22: {  	[sflag:s18] =	ssyncset.done $0x0  }
0x23: {  	s0 =	simm.s32 $0x100;
	[sflag:s18] =	ssyncadd.s32 $0xFFFFFF80  }
0x24: {  	[tilespmem:s0], [sflag:$0x3] =	stream.linear.gather [hbm4b:s11+s3], $0x80, $0x38;
	[tilespmem:$0x1C200] =	vst v63  }
0x25: {  	s31 =	simm.s32 $0x200  }
0x26: {  	[tilespmem:s31], [sflag:$0x1] =	stream.indirect.gather [hbm4b:s4+s20], $0x80, s3, s20, $0xb8;
	[tilespmem:$0x1C200] =	vst v63  }
0x27: {  	_ = 	snop  }
0x28: {  	[tilespmem:s20], [sflag:$0x4] =	stream.linear.gather [hbm4b:s12+s3], $0x80, $0x38;
	[tilespmem:$0x1C200] =	vst v63  }
0x29: {  	_ =	swait.ge [sflag:s22], $0x80  }
0x2a: {  	[sflag:s22] =	ssyncset.done $0x0  }
0x2b: {  	[sflag:s22] =	ssyncadd.s32 $0xFFFFFF80  }
0x2c: {  	[tilespmem:s26], [sflag:$0x4] =	stream.linear.gather [hbm4b:s13+s3], $0x80, $0x38;
	[tilespmem:$0x1C200] =	vst v63  }
0x2d: {  	s29 =	simm.s32 $0x180  }
0x2e: {  	[tilespmem:s23], [sflag:$0x2] =	stream.indirect.gather [hbm4b:s4+s20], $0x80, s20, s20, $0xb8;
	[tilespmem:$0x1C200] =	vst v63  }
.LBB2_2:
0x2f: {  	_ =	swait.ge [sflag:s24], $0x4000  }
0x30: {  	[sflag:s24] =	ssyncset.done $0x0  }
0x31: {  	[sflag:s24] =	ssyncadd.s32 $0xFFFFC000  }
0x32: {  	p0 =	seq.s32 s29, $0x2880;
	_ =	swait.ge [sflag:s18], $0x80  }
0x33: {  	s30 =	simm.s32 @p0 $0x80;
	[sflag:s18] =	ssyncset.done $0x0  }
0x34: {  	s31 =	simm.s32 @p0 $0x100;
	s0 =	simm.s32 @p0 $0x200;
	[sflag:s18] =	ssyncadd.s32 $0xFFFFFF80  }
0x35: {  	[spmem:s2] =	stream.indirect.scatter.add.f32 @p0 [tilespmem:s0], [sflag:$0x5], $0x80, s31, s30, $0xb8;
	[tilespmem:$0x1C200] =	vst v63  }
0x36: {  	s0 =	sadd.s32 @!p0 $0xFFFFFF80, s29  }
0x37: {  	s30 =	sand.u32 @!p0 $0x7C00, s0  }
0x38: {  	s31 =	simm.s32 @p0 $0x5;
	s0 =	sand.u32 @!p0 $0x300, s0;
	s30 =	sadd.s32 @!p0 s7, s30  }
0x39: {  	_ =	swait.ge @p0 [sflag:s31], $0x4000;
	s0 =	sor.u32 @!p0 s0, s30  }
0x3a: {  	s1 =	simm.s32 @!p0 $0x100;
	[sflag:s31] =	ssyncset.done @p0 $0x0;
	s0 =	sshrl.u32 @!p0 s0, $0x3  }
0x3b: {  	[sflag:s31] =	ssyncadd.s32 @p0 $0xFFFFC000;
	s31 =	simm.s32 @!p0 $0x0;
	s30 =	sadd.s32 @!p0 s5, s0  }
0x3c: {  	[tilespmem:s31], [sflag:$0x3] =	stream.linear.gather @!p0 [hbm4b:s30+s31], $0x80, $0x38;
	[tilespmem:$0x1C200] =	vst v63  }
0x3d: {  	s19 =	simm.s32 @!p0 $0x200;
	s21 =	simm.s32 @!p0 $0x5;
	s30 =	simm.s32 @!p0 $0x80  }
0x3e: {  	[spmem:s2] =	stream.indirect.scatter.add.f32 @!p0 [tilespmem:s19], [sflag:$0x5], $0x80, s1, s30, $0xb8;
	[tilespmem:$0x1C200] =	vst v63  }
0x3f: {  	_ =	swait.ge @!p0 [sflag:s21], $0x4000  }
0x40: {  	[sflag:s21] =	ssyncset.done @!p0 $0x0  }
0x41: {  	[sflag:s21] =	ssyncadd.s32 @!p0 $0xFFFFC000;
	s21 =	simm.s32 @!p0 $0x3  }
0x42: {  	_ =	swait.ge @!p0 [sflag:s21], $0x80  }
0x43: {  	[sflag:s21] =	ssyncset.done @!p0 $0x0  }
0x44: {  	s0 =	sadd.s32 @!p0 s6, s0;
	[sflag:s21] =	ssyncadd.s32 @!p0 $0xFFFFFF80  }
0x45: {  	[tilespmem:s1], [sflag:$0x3] =	stream.linear.gather @!p0 [hbm4b:s0+s31], $0x80, $0x38;
	[tilespmem:$0x1C200] =	vst v63  }
0x46: {  	_ = 	snop  }
0x47: {  	[tilespmem:s19], [sflag:$0x1] =	stream.indirect.gather @!p0 [hbm4b:s4+s30], $0x80, s31, s30, $0xb8;
	[tilespmem:$0x1C200] =	vst v63  }
0x48: {  	_ =	swait.ge [sflag:s25], $0x4000  }
.Ltmp2:
0x49: {  	[sflag:s25] =	ssyncset.done $0x0;
	(pc) =	sbr.rel @p0 .LBB2_4-.Ltmp2, $4  }
0x4a: {  	[sflag:s25] =	ssyncadd.s32 $0xFFFFC000  }
0x4b: {  	_ =	swait.ge [sflag:s22], $0x80  }
0x4c: {  	[sflag:s22] =	ssyncset.done $0x0  }
0x4d: {  	[sflag:s22] =	ssyncadd.s32 $0xFFFFFF80  }
0x4e: {  	s0 =	sand.u32 $0x7C00, s29  }
0x4f: {  	s1 =	sand.u32 $0x380, s29;
	s0 =	sadd.s32 s7, s0  }
0x50: {  	s0 =	sor.u32 s1, s0  }
0x51: {  	s0 =	sshrl.u32 s0, $0x3  }
0x52: {  	s31 =	sadd.s32 s5, s0  }
0x53: {  	[tilespmem:s20], [sflag:$0x4] =	stream.linear.gather [hbm4b:s31+s3], $0x80, $0x38;
	[tilespmem:$0x1C200] =	vst v63  }
0x54: {  	_ = 	snop  }
0x55: {  	[spmem:s2] =	stream.indirect.scatter.add.f32 [tilespmem:s23], [sflag:$0x5], $0x80, s26, s20, $0xb8;
	[tilespmem:$0x1C200] =	vst v63  }
0x56: {  	_ =	swait.ge [sflag:s17], $0x4000  }
0x57: {  	[sflag:s17] =	ssyncset.done $0x0  }
0x58: {  	[sflag:s17] =	ssyncadd.s32 $0xFFFFC000  }
0x59: {  	_ =	swait.ge [sflag:s22], $0x80  }
.Ltmp3:
0x5a: {  	[sflag:s22] =	ssyncset.done $0x0;
	(pc) =	sbr.rel .LBB2_2-.Ltmp3, $4  }
0x5b: {  	s0 =	sadd.s32 s6, s0;
	[sflag:s22] =	ssyncadd.s32 $0xFFFFFF80  }
0x5c: {  	[tilespmem:s26], [sflag:$0x4] =	stream.linear.gather [hbm4b:s0+s3], $0x80, $0x38;
	[tilespmem:$0x1C200] =	vst v63  }
0x5d: {  	s29 =	sadd.s32 $0x100, s29  }
0x5e: {  	[tilespmem:s23], [sflag:$0x2] =	stream.indirect.gather [hbm4b:s4+s20], $0x80, s20, s20, $0xb8;
	[tilespmem:$0x1C200] =	vst v63  }
.LBB2_5:
0x5f: {  	_ =	sfence.sel $0x180000  }
0x60: {  	[bflag:$0x0] =	sbarrier.arrive $0xFFFF  }
0x61: {  	_ =	strace $0x9000004A  }
0x62: {  	s0 =	stileid.u32;
	[bflag:$0x2] =	sbarrier.arrive $0xFFFF  }
0x63: {  	p0 =	sne.s32 s0, $0x0;
	s0 =	rddreg [dreg:$0x2]  }
0x64: {  	s0 =	sadd.s32 @!p0 $0x100000, s0  }
0x65: {  	[sflag:s0] =	ssyncadd.tile.s32 @!p0 $0x1;
	_ =	shalt  }
.Lfunc_end2:
_tile_overlayer_lowered:
.L_overlay_start_2:
0x66: {  	(tag) =	ssettag $0x2  }
0x67: {  	s0 =	rddreg [dreg:$0x0];
	s2 =	stileid.u32  }
0x68: {  	s1 =	rddreg [dreg:$0x1];
	p0 =	sne.s32 s2, $0x0  }
0x69: {  	s3 =	rddreg [dreg:$0x2];
	[bflag:$0x3] =	sbarrier.arrive $0xFFFF;
	s2 =	simm.s32 @!p0 $0x1C05  }
0x6a: {  	[timem:s3], [sflag:s2] =	dma.local @!p0 [hbm:s0], s1  }
0x6b: {  	s0 =	simm.s32 @!p0 $0x5  }
0x6c: {  	_ =	swait.ge @!p0 [sflag:s0], s1  }
0x6d: {  	s1 =	ssub.s32 @!p0 $0x0, s1;
	[sflag:s0] =	ssyncset.done @!p0 $0x0  }
0x6e: {  	[sflag:s0] =	ssyncadd.s32 @!p0 s1  }
0x6f: {  	[bflag:$0x3] =	sbarrier.arrive $0xFFFF  }
0x70: {  	_ =	shalt  }

// kernel: kernel.16.cloned.1.call-start
scs
__scs_entry_jumppad:
0x0: {  	(pc) =	sbr.rel $0x88, $3  }
0x1: {  	(tag) =	ssettag $0x0;
	lr =	simm.s32 $0x1  }
0x2: {  	[smem:$0x3F8F] =	sst lr;
	_ =	strace $0xD0000000  }
0x3: {  	_ = 	snop  }
0x4: {  	_ = 	snop  }
0x5: {  	_ = 	snop  }
0x6: {  	_ = 	snop  }
0x7: {  	_ = 	snop  }
__scs_overlays_trampoline_lowered:
0x8: {  	[smem:$0x3F9E] =	sst s0  }
0x9: {  	[smem:$0x3F9F] =	sst s1  }
0xa: {  	[smem:$0x3FA0] =	sst s2  }
0xb: {  	[smem:$0x3FA1] =	sst s3  }
0xc: {  	[smem:$0x3FA2] =	sst s4  }
0xd: {  	[smem:$0x3FA3] =	sst s5  }
0xe: {  	[smem:$0x3FA4] =	sst s6  }
0xf: {  	[smem:$0x3FA5] =	sst s7  }
0x10: {  	[smem:$0x3FA6] =	sst s8  }
0x11: {  	[smem:$0x3FA7] =	sst s9;
	s0 =	simm.s32 @!p0 $0x0  }
0x12: {  	s1 =	sld [smem:$0x3F8D];
	s0 =	simm.s32 @p0 $0x1  }
0x13: {  	[smem:$0x3FA8] =	sst s0;
	s0 =	simm.s32 @!p1 $0x0  }
0x14: {  	s2 =	sld [smem:$0x3F8C];
	s0 =	simm.s32 @p1 $0x1  }
0x15: {  	[smem:$0x3FA9] =	sst s0;
	s0 =	simm.s32 @!p2 $0x0  }
0x16: {  	s3 =	sld [smem:$0x3FDB];
	s0 =	simm.s32 @p2 $0x1  }
0x17: {  	s4 =	simm.s32 $0x1BF5;
	[smem:$0x3FAB] =	sst s0  }
0x18: {  	s0 =	sld [smem:$0x3F8E];
	_ =	swait.ge [sflag:s4], $0x0  }
0x19: {  	s7 =	sld [smem:$0x3F8F]  }
0x1a: {  	s8 =	sadd.s32 $0xFFFFE003, lr  }
0x1b: {  	s9 =	sadd.s32 $0xFFFFFEF7, lr;
	s5 =	simm.s32 $0xFFFFFFFF;
	p2 =	slt.u32 s8, $0xFFFFF086  }
0x1c: {  	p1 =	slt.u32 s9, $0xF7A;
	s5 =	simm.s32 @!p2 $0x0  }
0x1d: {  	s5 =	simm.s32 @p1 $0x1;
	p0 =	seq.s32 s7, s2  }
0x1e: {  	s7 =	smul.u32 @!p0 $0xF7A, s2;
	p2 =	seq.s32 @!p0 s5, $0x0  }
0x1f: {  	s9 =	smul.u32 $0xF7A, s1;
	s8 =	simm.s32 @!p0 $0x1BF5;
	p2 =	por !p2, p0  }
0x20: {  	[sflag:s8] =	ssyncset.s32 @!p0 $0xFFFFF086;
	s6 =	sadd.s32 @!p0 s3, s7;
	s7 =	simm.s32 @!p0 $0x108  }
0x21: {  	s3 =	sadd.s32 s3, s9;
	s6 =	sadd.s32 @!p0 $0x88, s6;
	s7 =	simm.s32 @p2 $0x1082  }
0x22: {  	[simem:s7], [sflag:s8] =	dma.local @!p0 [hbm:s6], $0xF7A  }
0x23: {  	s9 =	sor.u32 $0xD0000000, s2;
	s6 =	simm.s32 $0x108;
	_ =	swait.ge @!p0 [sflag:s8], $0x0  }
0x24: {  	s3 =	sadd.s32 $0x88, s3;
	s6 =	simm.s32 @!p1 $0x1082;
	[sflag:s4] =	ssyncset.s32 $0xFFFFF086  }
0x25: {  	[simem:s6], [sflag:s4] =	dma.local [hbm:s3], $0xF7A  }
0x26: {  	[smem:$0x3F8F] =	sst s1;
	(tag) =	ssettag s2;
	_ =	strace s9  }
0x27: {  	s1 =	sld [smem:$0x3F9F]  }
0x28: {  	s2 =	sld [smem:$0x3FA0]  }
0x29: {  	s4 =	sld [smem:$0x3FA2]  }
0x2a: {  	p0 =	seq.s32 s5, $0x0;
	s5 =	sld [smem:$0x3FA3]  }
0x2b: {  	s6 =	sld [smem:$0x3FA4]  }
0x2c: {  	s7 =	sld [smem:$0x3FA5]  }
0x2d: {  	s3 =	simm.s32 $0x108;
	s8 =	sld [smem:$0x3FA6]  }
0x2e: {  	s3 =	simm.s32 @!p0 $0x1082;
	s9 =	sld [smem:$0x3FA7]  }
0x2f: {  	lr =	sadd.s32 s0, s3;
	s0 =	sld [smem:$0x3F9E]  }
0x30: {  	s3 =	sld [smem:$0x3FA1]  }
0x31: {  	[smem:$0x3FAA] =	sst s10  }
0x32: {  	s10 =	sld [smem:$0x3FA8];
	_ =	sdelay $0x3  }
0x33: {  	p0 =	seq.s32 s10, $0x1;
	s10 =	sld [smem:$0x3FAA];
	_ =	sdelay $0x3  }
0x34: {  	[smem:$0x3FAA] =	sst s10  }
0x35: {  	s10 =	sld [smem:$0x3FA9];
	_ =	sdelay $0x3  }
0x36: {  	p1 =	seq.s32 s10, $0x1;
	s10 =	sld [smem:$0x3FAA];
	_ =	sdelay $0x3  }
0x37: {  	[smem:$0x3FAA] =	sst s10  }
0x38: {  	s10 =	sld [smem:$0x3FAB]  }
0x39: {  	_ = 	snop;
	(pc) =	sbr.ind lr, $3  }
0x3a: {  	_ = 	snop  }
0x3b: {  	_ = 	snop  }
0x3c: {  	p2 =	seq.s32 s10, $0x1;
	s10 =	sld [smem:$0x3FAA]  }
0x3d: {  	_ =	shalt  }
0x3e: {  	_ =	shalt  }
0x3f: {  	_ =	shalt  }
0x40: {  	_ =	shalt  }
0x41: {  	_ =	shalt  }
0x42: {  	_ =	shalt  }
0x43: {  	_ =	shalt  }
0x44: {  	_ =	shalt  }
0x45: {  	_ =	shalt  }
0x46: {  	_ =	shalt  }
0x47: {  	_ =	shalt  }
0x48: {  	_ =	shalt  }
0x49: {  	_ =	shalt  }
0x4a: {  	_ =	shalt  }
0x4b: {  	_ =	shalt  }
0x4c: {  	_ =	shalt  }
0x4d: {  	_ =	shalt  }
0x4e: {  	_ =	shalt  }
0x4f: {  	_ =	shalt  }
0x50: {  	_ =	shalt  }
0x51: {  	_ =	shalt  }
0x52: {  	_ =	shalt  }
0x53: {  	_ =	shalt  }
0x54: {  	_ =	shalt  }
0x55: {  	_ =	shalt  }
0x56: {  	_ =	shalt  }
0x57: {  	_ =	shalt  }
0x58: {  	_ =	shalt  }
0x59: {  	_ =	shalt  }
0x5a: {  	_ =	shalt  }
0x5b: {  	_ =	shalt  }
0x5c: {  	_ =	shalt  }
0x5d: {  	_ =	shalt  }
0x5e: {  	_ =	shalt  }
0x5f: {  	_ =	shalt  }
0x60: {  	_ =	shalt  }
0x61: {  	_ =	shalt  }
0x62: {  	_ =	shalt  }
0x63: {  	_ =	shalt  }
0x64: {  	_ =	shalt  }
0x65: {  	_ =	shalt  }
0x66: {  	_ =	shalt  }
0x67: {  	_ =	shalt  }
0x68: {  	_ =	shalt  }
0x69: {  	_ =	shalt  }
0x6a: {  	_ =	shalt  }
0x6b: {  	_ =	shalt  }
0x6c: {  	_ =	shalt  }
0x6d: {  	_ =	shalt  }
0x6e: {  	_ =	shalt  }
0x6f: {  	_ =	shalt  }
0x70: {  	_ =	shalt  }
0x71: {  	_ =	shalt  }
0x72: {  	_ =	shalt  }
0x73: {  	_ =	shalt  }
0x74: {  	_ =	shalt  }
0x75: {  	_ =	shalt  }
0x76: {  	_ =	shalt  }
0x77: {  	_ =	shalt  }
0x78: {  	_ =	shalt  }
0x79: {  	_ =	shalt  }
0x7a: {  	_ =	shalt  }
0x7b: {  	_ =	shalt  }
0x7c: {  	_ =	shalt  }
0x7d: {  	_ =	shalt  }
0x7e: {  	_ =	shalt  }
0x7f: {  	_ =	shalt  }
0x80: {  	_ =	shalt  }
0x81: {  	_ =	shalt  }
0x82: {  	_ =	shalt  }
0x83: {  	_ =	shalt  }
0x84: {  	_ =	shalt  }
0x85: {  	_ =	shalt  }
0x86: {  	_ =	shalt  }
0x87: {  	_ =	shalt  }
.Lfunc_end0:
.L_simem_size_0:
called_computation.2_lowered:
.L_overlay_start_0:
0x88: {  	s2 =	sld [smem:$0x3FD9]  }
0x89: {  	s3 =	sld [smem:$0x3FFE];
	_ =	sdelay $0x1  }
0x8a: {  	s1 =	srdreg.scid  }
0x8b: {  	s0 =	sand.u32 $0x1, s1  }
0x8c: {  	s16 =	sshll.u32 s0, $0xA;
	s2 =	sadd.s32 s3, s2  }
0x8d: {  	s2 =	sadd.s32 s2, s16  }
0x8e: {  	[smem:$0x3FB6] =	sst s2  }
0x8f: {  	_ = 	snop  }
0x90: {  	(tm) =	ssettm $0x1  }
0x91: {  	s17 =	sld [smem:$0x3FFB];
	_ =	sdelay $0x3  }
0x92: {  	_ =	strace s17  }
0x93: {  	s2 =	sld [smem:$0x3FFC];
	_ =	sdelay $0x3  }
0x94: {  	_ =	strace s2  }
0x95: {  	s2 =	sld [smem:$0x3FFD];
	_ =	sdelay $0x3  }
0x96: {  	_ =	strace s2  }
0x97: {  	_ =	strace $0x8FFFFFFF  }
0x98: {  	s18 =	sld [smem:$0x3FDB];
	_ =	sdelay $0x1  }
0x99: {  	s19 =	simm.s32 $_scs_section_size  }
0x9a: {  	s4 =	simm.s32 $_size__tile_overlayer_lowered;
	s5 =	simm.s32 $_tile_overlayer_lowered  }
0x9b: {  	s22 =	simm.s32 $0x1BFF;
	s21 =	sshll.u32 s5, $0x1;
	s2 =	sadd.s32 s19, s18  }
0x9c: {  	s6 =	simm.s32 $0x0;
	s20 =	sshll.u32 s4, $0x1;
	s4 =	sadd.s32 s21, s2  }
0x9d: {  	[timem:s6], [sflag:s22] =	dma.local [hbm:s4], s20  }
0x9e: {  	_ =	swait.ge [sflag:s22], s20  }
0x9f: {  	s3 =	ssub.s32 $0x0, s20;
	[sflag:s22] =	ssyncset.done $0x0  }
0xa0: {  	[sflag:s22] =	ssyncadd.s32 s3;
	_ =	sdelay $0x1  }
0xa1: {  	s23 =	simm.s32 $0x1B8B  }
0xa2: {  	_ =	swait.ge [sflag:s23], $0x1  }
0xa3: {  	[sflag:s23] =	ssyncset.done $0x0  }
0xa4: {  	s25 =	simm.s32 $0x1B8E;
	s24 =	sld [smem:$0x3FFE];
	[sflag:s23] =	ssyncadd.s32 $0xFFFFFFFF  }
0xa5: {  	s26 =	simm.s32 $execute0_lowered;
	[smem:$0x3FD2] =	sst s25  }
0xa6: {  	s4 =	sshll.u32 s26, $0x1;
	_ =	strace $0x8000004C;
	[dreg:$0x1] =	wrdreg $0xFFFFFFFF  }
0xa7: {  	s28 =	simm.s32 $_size_execute0_lowered;
	s2 =	sadd.s32 s2, s4;
	[dreg:$0x0] =	wrdreg $0x0  }
0xa8: {  	s4 =	sshll.u32 s28, $0x1;
	[dreg:$0x2] =	wrdreg s2  }
0xa9: {  	[dreg:$0x3] =	wrdreg s4  }
0xaa: {  	[dreg:$0x4] =	wrdreg $0xC0  }
0xab: {  	_ =	task [dreg:s6], $0x5FFFF  }
0xac: {  	[dreg:$0x1] =	wrdreg $0xFFFFFFFF  }
0xad: {  	[dreg:$0x0] =	wrdreg $0x60  }
0xae: {  	[dreg:$0x2] =	wrdreg s24  }
0xaf: {  	[dreg:$0x3] =	wrdreg $0x82000  }
0xb0: {  	[dreg:$0x4] =	wrdreg $0x9  }
0xb1: {  	_ =	task.clear_ibuf [dreg:s6], $0x5FFFF;
	_ =	strace $0x9000004C  }
0xb2: {  	s29 =	simm.s32 $0x9;
	_ =	strace $0x8000004E  }
0xb3: {  	_ =	swait.ge [sflag:s29], $0x1  }
0xb4: {  	[sflag:s29] =	ssyncadd.s32 $0xFFFFFFFF  }
0xb5: {  	_ =	strace $0x9000004E  }
0xb6: {  	_ =	sfence  }
0xb7: {  	s30 =	sld [smem:$0x0];
	_ =	sdelay $0x2  }
0xb8: {  	s31 =	sshll.u32 s1, $0xD;
	s1 =	sshrl.u32 s1, $0x2  }
0xb9: {  	s3 =	sand.u32 $0x4000, s31;
	s1 =	sadd.s32 s1, s30  }
0xba: {  	s0 =	sor.u32 s3, s0;
	s1 =	sshll.u32 s1, $0x11  }
0xbb: {  	s0 =	sor.u32 s1, s0  }
0xbc: {  	s0 =	sadd.s32 $0x8F2B, s0  }
0xbd: {  	[sflag:s0] =	ssyncadd.remote.s32 $0x1  }
0xbe: {  	_ =	sfence.sel $0xFFFF  }
0xbf: {  	[dreg:$0x0] =	wrdreg $0xFFFFFFFF;
	(pc) =	sbr.abs _section_cstart, $3  }
0xc0: {  	[dreg:$0x1] =	wrdreg $0xFFFFFFFF  }
0xc1: {  	_ =	task.clear_ibuf [dreg:s6], $0x2FFFF;
	_ =	strace $0x9FFFFFFF  }
0xc2: {  	(tm) =	ssettm $0x7FFFFFFF  }
0xc3: {  	_ =	shalt  }
tec
execute0_lowered:
.L_overlay_start_1:
0x0: {  	(tag) =	ssettag $0x1  }
0x1: {  	s8 =	rddreg [dreg:$0x0]  }
0x2: {  	s2 =	rddreg [dreg:$0x1];
	s3 =	simm.s32 $0x0  }
0x3: {  	s4 =	srdreg.scid;
	s0 =	stileid.u32;
	s17 =	simm.s32 $0x5  }
0x4: {  	s18 =	simm.s32 $0x3;
	s20 =	simm.s32 $0x80;
	s22 =	simm.s32 $0x4  }
0x5: {  	s23 =	simm.s32 $0x4200;
	s28 =	simm.s32 $0x0;
	[smem:$0x7FF] =	sst s3  }
0x6: {  	s7 =	sand.u32 $0x1, s4;
	s9 =	smul.u32 $0x14000, s0;
	s4 =	sadd.s32 $0x6B200, s8  }
0x7: {  	s5 =	sadd.s32 $0x61200, s8;
	s6 =	sadd.s32 $0x4A00, s8;
	s11 =	smul.u32 $0x50000, s0  }
0x8: {  	s29 =	sshll.u32 s0, $0x6;
	_ =	strace $0x8000004D;
	s12 =	sshll.u32 s7, $0x4  }
0x9: {  	s10 =	smul.u32 $0x140000, s7;
	s13 =	ssub.s32 $0x2, s7;
	s24 =	sor.u32 s0, s12  }
0xa: {  	s25 =	sshrl.u32 s13, $0x1;
	s11 =	sshrl.u32 s11, $0x2;
	s26 =	sshrl.u32 s9, $0x3  }
0xb: {  	s10 =	sadd.s32 s9, s10;
	s7 =	smul.u32 $0x2800, s24;
	s15 =	ssub.s32 s13, s25  }
0xc: {  	s16 =	sadd.s32 s11, s2;
	s9 =	sor.u32 $0x1C05, s29;
	s24 =	simm.s32 $0x1  }
.Ltmp0:
0xd: {  	s25 =	simm.s32 $0x2;
	s10 =	sshrl.u32 s10, $0x3;
	(pc) =	sbr.rel .LBB2_1-.Ltmp0, $4  }
0xe: {  	s15 =	smax.u32 s15, $0x1;
	s16 =	sshrl.u32 s16, $0x3;
	s14 =	sadd.s32 s10, s8  }
0xf: {  	s30 =	sshrl.u32 s7, $0x3;
	s8 =	sadd.s32 s4, s26;
	s26 =	simm.s32 $0x180  }
0x10: {  	s31 =	sor.u32 $0x10, s30;
	s10 =	sadd.s32 s5, s30;
	s11 =	sadd.s32 s6, s30  }
0x11: {  	s14 =	sadd.s32 $0x93200, s14;
	s12 =	sadd.s32 s5, s31;
	s13 =	sadd.s32 s6, s31  }
.LBB2_4:
0x12: {  	[spmem:s2] =	stream.indirect.scatter.add.f32 [tilespmem:s23], [sflag:$0x5], $0x80, s26, s20, $0xb8;
	[tilespmem:$0x1C200] =	vst v63  }
0x13: {  	_ =	swait.ge [sflag:s17], $0x4000  }
0x14: {  	s28 =	sadd.s32 $0x1, s28;
	[sflag:s17] =	ssyncset.done $0x0  }
0x15: {  	p0 =	sne.s32 s28, s15;
	[sflag:s17] =	ssyncadd.s32 $0xFFFFC000  }
.Ltmp1:
0x16: {  	[bflag:$0x0] =	sbarrier.arrive $0xFFFF;
	(pc) =	sbr.rel @!p0 .LBB2_5-.Ltmp1, $4  }
0x17: {  	[hbm:s14], [sflag:s9] =	dma.local [spmem:s16], $0x2800  }
0x18: {  	_ =	swait.ge [sflag:s17], $0x2800  }
0x19: {  	[sflag:s17] =	ssyncset.done $0x0  }
0x1a: {  	[sflag:s17] =	ssyncadd.s32 $0xFFFFD800  }
.LBB2_1:
0x1b: {  	[spmem:s16], [sflag:s9] =	dma.local [hbm:s8], $0x2800  }
0x1c: {  	_ =	swait.ge [sflag:s17], $0x2800  }
0x1d: {  	[sflag:s17] =	ssyncset.done $0x0  }
0x1e: {  	[sflag:s17] =	ssyncadd.s32 $0xFFFFD800  }
0x1f: {  	[bflag:$0x0] =	sbarrier.arrive $0xFFFF  }
0x20: {  	[tilespmem:s3], [sflag:$0x3] =	stream.linear.gather [hbm4b:s10+s3], $0x80, $0x38;
	[tilespmem:$0x1C200] =	vst v63  }
0x21: {  	_ =	swait.ge [sflag:s18], $0x80  }
0x22: {  	[sflag:s18] =	ssyncset.done $0x0  }
0x23: {  	s0 =	simm.s32 $0x100;
	[sflag:s18] =	ssyncadd.s32 $0xFFFFFF80  }
0x24: {  	[tilespmem:s0], [sflag:$0x3] =	stream.linear.gather [hbm4b:s11+s3], $0x80, $0x38;
	[tilespmem:$0x1C200] =	vst v63  }
0x25: {  	s31 =	simm.s32 $0x200  }
0x26: {  	[tilespmem:s31], [sflag:$0x1] =	stream.indirect.gather [hbm4b:s4+s20], $0x80, s3, s20, $0xb8;
	[tilespmem:$0x1C200] =	vst v63  }
0x27: {  	_ = 	snop  }
0x28: {  	[tilespmem:s20], [sflag:$0x4] =	stream.linear.gather [hbm4b:s12+s3], $0x80, $0x38;
	[tilespmem:$0x1C200] =	vst v63  }
0x29: {  	_ =	swait.ge [sflag:s22], $0x80  }
0x2a: {  	[sflag:s22] =	ssyncset.done $0x0  }
0x2b: {  	[sflag:s22] =	ssyncadd.s32 $0xFFFFFF80  }
0x2c: {  	[tilespmem:s26], [sflag:$0x4] =	stream.linear.gather [hbm4b:s13+s3], $0x80, $0x38;
	[tilespmem:$0x1C200] =	vst v63  }
0x2d: {  	s29 =	simm.s32 $0x180  }
0x2e: {  	[tilespmem:s23], [sflag:$0x2] =	stream.indirect.gather [hbm4b:s4+s20], $0x80, s20, s20, $0xb8;
	[tilespmem:$0x1C200] =	vst v63  }
.LBB2_2:
0x2f: {  	_ =	swait.ge [sflag:s24], $0x4000  }
0x30: {  	[sflag:s24] =	ssyncset.done $0x0  }
0x31: {  	[sflag:s24] =	ssyncadd.s32 $0xFFFFC000  }
0x32: {  	p0 =	seq.s32 s29, $0x2880;
	_ =	swait.ge [sflag:s18], $0x80  }
0x33: {  	s30 =	simm.s32 @p0 $0x80;
	[sflag:s18] =	ssyncset.done $0x0  }
0x34: {  	s31 =	simm.s32 @p0 $0x100;
	s0 =	simm.s32 @p0 $0x200;
	[sflag:s18] =	ssyncadd.s32 $0xFFFFFF80  }
0x35: {  	[spmem:s2] =	stream.indirect.scatter.add.f32 @p0 [tilespmem:s0], [sflag:$0x5], $0x80, s31, s30, $0xb8;
	[tilespmem:$0x1C200] =	vst v63  }
0x36: {  	s0 =	sadd.s32 @!p0 $0xFFFFFF80, s29  }
0x37: {  	s30 =	sand.u32 @!p0 $0x7C00, s0  }
0x38: {  	s31 =	simm.s32 @p0 $0x5;
	s0 =	sand.u32 @!p0 $0x300, s0;
	s30 =	sadd.s32 @!p0 s7, s30  }
0x39: {  	_ =	swait.ge @p0 [sflag:s31], $0x4000;
	s0 =	sor.u32 @!p0 s0, s30  }
0x3a: {  	s1 =	simm.s32 @!p0 $0x100;
	[sflag:s31] =	ssyncset.done @p0 $0x0;
	s0 =	sshrl.u32 @!p0 s0, $0x3  }
0x3b: {  	[sflag:s31] =	ssyncadd.s32 @p0 $0xFFFFC000;
	s31 =	simm.s32 @!p0 $0x0;
	s30 =	sadd.s32 @!p0 s5, s0  }
0x3c: {  	[tilespmem:s31], [sflag:$0x3] =	stream.linear.gather @!p0 [hbm4b:s30+s31], $0x80, $0x38;
	[tilespmem:$0x1C200] =	vst v63  }
0x3d: {  	s19 =	simm.s32 @!p0 $0x200;
	s21 =	simm.s32 @!p0 $0x5;
	s30 =	simm.s32 @!p0 $0x80  }
0x3e: {  	[spmem:s2] =	stream.indirect.scatter.add.f32 @!p0 [tilespmem:s19], [sflag:$0x5], $0x80, s1, s30, $0xb8;
	[tilespmem:$0x1C200] =	vst v63  }
0x3f: {  	_ =	swait.ge @!p0 [sflag:s21], $0x4000  }
0x40: {  	[sflag:s21] =	ssyncset.done @!p0 $0x0  }
0x41: {  	[sflag:s21] =	ssyncadd.s32 @!p0 $0xFFFFC000;
	s21 =	simm.s32 @!p0 $0x3  }
0x42: {  	_ =	swait.ge @!p0 [sflag:s21], $0x80  }
0x43: {  	[sflag:s21] =	ssyncset.done @!p0 $0x0  }
0x44: {  	s0 =	sadd.s32 @!p0 s6, s0;
	[sflag:s21] =	ssyncadd.s32 @!p0 $0xFFFFFF80  }
0x45: {  	[tilespmem:s1], [sflag:$0x3] =	stream.linear.gather @!p0 [hbm4b:s0+s31], $0x80, $0x38;
	[tilespmem:$0x1C200] =	vst v63  }
0x46: {  	_ = 	snop  }
0x47: {  	[tilespmem:s19], [sflag:$0x1] =	stream.indirect.gather @!p0 [hbm4b:s4+s30], $0x80, s31, s30, $0xb8;
	[tilespmem:$0x1C200] =	vst v63  }
0x48: {  	_ =	swait.ge [sflag:s25], $0x4000  }
.Ltmp2:
0x49: {  	[sflag:s25] =	ssyncset.done $0x0;
	(pc) =	sbr.rel @p0 .LBB2_4-.Ltmp2, $4  }
0x4a: {  	[sflag:s25] =	ssyncadd.s32 $0xFFFFC000  }
0x4b: {  	_ =	swait.ge [sflag:s22], $0x80  }
0x4c: {  	[sflag:s22] =	ssyncset.done $0x0  }
0x4d: {  	[sflag:s22] =	ssyncadd.s32 $0xFFFFFF80  }
0x4e: {  	s0 =	sand.u32 $0x7C00, s29  }
0x4f: {  	s1 =	sand.u32 $0x380, s29;
	s0 =	sadd.s32 s7, s0  }
0x50: {  	s0 =	sor.u32 s1, s0  }
0x51: {  	s0 =	sshrl.u32 s0, $0x3  }
0x52: {  	s31 =	sadd.s32 s5, s0  }
0x53: {  	[tilespmem:s20], [sflag:$0x4] =	stream.linear.gather [hbm4b:s31+s3], $0x80, $0x38;
	[tilespmem:$0x1C200] =	vst v63  }
0x54: {  	_ = 	snop  }
0x55: {  	[spmem:s2] =	stream.indirect.scatter.add.f32 [tilespmem:s23], [sflag:$0x5], $0x80, s26, s20, $0xb8;
	[tilespmem:$0x1C200] =	vst v63  }
0x56: {  	_ =	swait.ge [sflag:s17], $0x4000  }
0x57: {  	[sflag:s17] =	ssyncset.done $0x0  }
0x58: {  	[sflag:s17] =	ssyncadd.s32 $0xFFFFC000  }
0x59: {  	_ =	swait.ge [sflag:s22], $0x80  }
.Ltmp3:
0x5a: {  	[sflag:s22] =	ssyncset.done $0x0;
	(pc) =	sbr.rel .LBB2_2-.Ltmp3, $4  }
0x5b: {  	s0 =	sadd.s32 s6, s0;
	[sflag:s22] =	ssyncadd.s32 $0xFFFFFF80  }
0x5c: {  	[tilespmem:s26], [sflag:$0x4] =	stream.linear.gather [hbm4b:s0+s3], $0x80, $0x38;
	[tilespmem:$0x1C200] =	vst v63  }
0x5d: {  	s29 =	sadd.s32 $0x100, s29  }
0x5e: {  	[tilespmem:s23], [sflag:$0x2] =	stream.indirect.gather [hbm4b:s4+s20], $0x80, s20, s20, $0xb8;
	[tilespmem:$0x1C200] =	vst v63  }
.LBB2_5:
0x5f: {  	_ =	sfence.sel $0x180000  }
0x60: {  	[bflag:$0x0] =	sbarrier.arrive $0xFFFF  }
0x61: {  	_ =	strace $0x9000004D  }
0x62: {  	s0 =	stileid.u32;
	[bflag:$0x2] =	sbarrier.arrive $0xFFFF  }
0x63: {  	p0 =	sne.s32 s0, $0x0;
	s0 =	rddreg [dreg:$0x2]  }
0x64: {  	s0 =	sadd.s32 @!p0 $0x100000, s0  }
0x65: {  	[sflag:s0] =	ssyncadd.tile.s32 @!p0 $0x1;
	_ =	shalt  }
.Lfunc_end2:
_tile_overlayer_lowered:
.L_overlay_start_2:
0x66: {  	(tag) =	ssettag $0x2  }
0x67: {  	s0 =	rddreg [dreg:$0x0];
	s2 =	stileid.u32  }
0x68: {  	s1 =	rddreg [dreg:$0x1];
	p0 =	sne.s32 s2, $0x0  }
0x69: {  	s3 =	rddreg [dreg:$0x2];
	[bflag:$0x3] =	sbarrier.arrive $0xFFFF;
	s2 =	simm.s32 @!p0 $0x1C05  }
0x6a: {  	[timem:s3], [sflag:s2] =	dma.local @!p0 [hbm:s0], s1  }
0x6b: {  	s0 =	simm.s32 @!p0 $0x5  }
0x6c: {  	_ =	swait.ge @!p0 [sflag:s0], s1  }
0x6d: {  	s1 =	ssub.s32 @!p0 $0x0, s1;
	[sflag:s0] =	ssyncset.done @!p0 $0x0  }
0x6e: {  	[sflag:s0] =	ssyncadd.s32 @!p0 s1  }
0x6f: {  	[bflag:$0x3] =	sbarrier.arrive $0xFFFF  }
0x70: {  	_ =	shalt  }

// kernel: kernel.19.cloned.1.call-start
scs
__scs_entry_jumppad:
0x0: {  	(pc) =	sbr.rel $0x88, $3  }
0x1: {  	(tag) =	ssettag $0x0;
	lr =	simm.s32 $0x1  }
0x2: {  	[smem:$0x3F8F] =	sst lr;
	_ =	strace $0xD0000000  }
0x3: {  	_ = 	snop  }
0x4: {  	_ = 	snop  }
0x5: {  	_ = 	snop  }
0x6: {  	_ = 	snop  }
0x7: {  	_ = 	snop  }
__scs_overlays_trampoline_lowered:
0x8: {  	[smem:$0x3F9E] =	sst s0  }
0x9: {  	[smem:$0x3F9F] =	sst s1  }
0xa: {  	[smem:$0x3FA0] =	sst s2  }
0xb: {  	[smem:$0x3FA1] =	sst s3  }
0xc: {  	[smem:$0x3FA2] =	sst s4  }
0xd: {  	[smem:$0x3FA3] =	sst s5  }
0xe: {  	[smem:$0x3FA4] =	sst s6  }
0xf: {  	[smem:$0x3FA5] =	sst s7  }
0x10: {  	[smem:$0x3FA6] =	sst s8  }
0x11: {  	[smem:$0x3FA7] =	sst s9;
	s0 =	simm.s32 @!p0 $0x0  }
0x12: {  	s1 =	sld [smem:$0x3F8D];
	s0 =	simm.s32 @p0 $0x1  }
0x13: {  	[smem:$0x3FA8] =	sst s0;
	s0 =	simm.s32 @!p1 $0x0  }
0x14: {  	s2 =	sld [smem:$0x3F8C];
	s0 =	simm.s32 @p1 $0x1  }
0x15: {  	[smem:$0x3FA9] =	sst s0;
	s0 =	simm.s32 @!p2 $0x0  }
0x16: {  	s3 =	sld [smem:$0x3FDB];
	s0 =	simm.s32 @p2 $0x1  }
0x17: {  	s4 =	simm.s32 $0x1BF5;
	[smem:$0x3FAB] =	sst s0  }
0x18: {  	s0 =	sld [smem:$0x3F8E];
	_ =	swait.ge [sflag:s4], $0x0  }
0x19: {  	s7 =	sld [smem:$0x3F8F]  }
0x1a: {  	s8 =	sadd.s32 $0xFFFFE003, lr  }
0x1b: {  	s9 =	sadd.s32 $0xFFFFFEF7, lr;
	s5 =	simm.s32 $0xFFFFFFFF;
	p2 =	slt.u32 s8, $0xFFFFF086  }
0x1c: {  	p1 =	slt.u32 s9, $0xF7A;
	s5 =	simm.s32 @!p2 $0x0  }
0x1d: {  	s5 =	simm.s32 @p1 $0x1;
	p0 =	seq.s32 s7, s2  }
0x1e: {  	s7 =	smul.u32 @!p0 $0xF7A, s2;
	p2 =	seq.s32 @!p0 s5, $0x0  }
0x1f: {  	s9 =	smul.u32 $0xF7A, s1;
	s8 =	simm.s32 @!p0 $0x1BF5;
	p2 =	por !p2, p0  }
0x20: {  	[sflag:s8] =	ssyncset.s32 @!p0 $0xFFFFF086;
	s6 =	sadd.s32 @!p0 s3, s7;
	s7 =	simm.s32 @!p0 $0x108  }
0x21: {  	s3 =	sadd.s32 s3, s9;
	s6 =	sadd.s32 @!p0 $0x88, s6;
	s7 =	simm.s32 @p2 $0x1082  }
0x22: {  	[simem:s7], [sflag:s8] =	dma.local @!p0 [hbm:s6], $0xF7A  }
0x23: {  	s9 =	sor.u32 $0xD0000000, s2;
	s6 =	simm.s32 $0x108;
	_ =	swait.ge @!p0 [sflag:s8], $0x0  }
0x24: {  	s3 =	sadd.s32 $0x88, s3;
	s6 =	simm.s32 @!p1 $0x1082;
	[sflag:s4] =	ssyncset.s32 $0xFFFFF086  }
0x25: {  	[simem:s6], [sflag:s4] =	dma.local [hbm:s3], $0xF7A  }
0x26: {  	[smem:$0x3F8F] =	sst s1;
	(tag) =	ssettag s2;
	_ =	strace s9  }
0x27: {  	s1 =	sld [smem:$0x3F9F]  }
0x28: {  	s2 =	sld [smem:$0x3FA0]  }
0x29: {  	s4 =	sld [smem:$0x3FA2]  }
0x2a: {  	p0 =	seq.s32 s5, $0x0;
	s5 =	sld [smem:$0x3FA3]  }
0x2b: {  	s6 =	sld [smem:$0x3FA4]  }
0x2c: {  	s7 =	sld [smem:$0x3FA5]  }
0x2d: {  	s3 =	simm.s32 $0x108;
	s8 =	sld [smem:$0x3FA6]  }
0x2e: {  	s3 =	simm.s32 @!p0 $0x1082;
	s9 =	sld [smem:$0x3FA7]  }
0x2f: {  	lr =	sadd.s32 s0, s3;
	s0 =	sld [smem:$0x3F9E]  }
0x30: {  	s3 =	sld [smem:$0x3FA1]  }
0x31: {  	[smem:$0x3FAA] =	sst s10  }
0x32: {  	s10 =	sld [smem:$0x3FA8];
	_ =	sdelay $0x3  }
0x33: {  	p0 =	seq.s32 s10, $0x1;
	s10 =	sld [smem:$0x3FAA];
	_ =	sdelay $0x3  }
0x34: {  	[smem:$0x3FAA] =	sst s10  }
0x35: {  	s10 =	sld [smem:$0x3FA9];
	_ =	sdelay $0x3  }
0x36: {  	p1 =	seq.s32 s10, $0x1;
	s10 =	sld [smem:$0x3FAA];
	_ =	sdelay $0x3  }
0x37: {  	[smem:$0x3FAA] =	sst s10  }
0x38: {  	s10 =	sld [smem:$0x3FAB]  }
0x39: {  	_ = 	snop;
	(pc) =	sbr.ind lr, $3  }
0x3a: {  	_ = 	snop  }
0x3b: {  	_ = 	snop  }
0x3c: {  	p2 =	seq.s32 s10, $0x1;
	s10 =	sld [smem:$0x3FAA]  }
0x3d: {  	_ =	shalt  }
0x3e: {  	_ =	shalt  }
0x3f: {  	_ =	shalt  }
0x40: {  	_ =	shalt  }
0x41: {  	_ =	shalt  }
0x42: {  	_ =	shalt  }
0x43: {  	_ =	shalt  }
0x44: {  	_ =	shalt  }
0x45: {  	_ =	shalt  }
0x46: {  	_ =	shalt  }
0x47: {  	_ =	shalt  }
0x48: {  	_ =	shalt  }
0x49: {  	_ =	shalt  }
0x4a: {  	_ =	shalt  }
0x4b: {  	_ =	shalt  }
0x4c: {  	_ =	shalt  }
0x4d: {  	_ =	shalt  }
0x4e: {  	_ =	shalt  }
0x4f: {  	_ =	shalt  }
0x50: {  	_ =	shalt  }
0x51: {  	_ =	shalt  }
0x52: {  	_ =	shalt  }
0x53: {  	_ =	shalt  }
0x54: {  	_ =	shalt  }
0x55: {  	_ =	shalt  }
0x56: {  	_ =	shalt  }
0x57: {  	_ =	shalt  }
0x58: {  	_ =	shalt  }
0x59: {  	_ =	shalt  }
0x5a: {  	_ =	shalt  }
0x5b: {  	_ =	shalt  }
0x5c: {  	_ =	shalt  }
0x5d: {  	_ =	shalt  }
0x5e: {  	_ =	shalt  }
0x5f: {  	_ =	shalt  }
0x60: {  	_ =	shalt  }
0x61: {  	_ =	shalt  }
0x62: {  	_ =	shalt  }
0x63: {  	_ =	shalt  }
0x64: {  	_ =	shalt  }
0x65: {  	_ =	shalt  }
0x66: {  	_ =	shalt  }
0x67: {  	_ =	shalt  }
0x68: {  	_ =	shalt  }
0x69: {  	_ =	shalt  }
0x6a: {  	_ =	shalt  }
0x6b: {  	_ =	shalt  }
0x6c: {  	_ =	shalt  }
0x6d: {  	_ =	shalt  }
0x6e: {  	_ =	shalt  }
0x6f: {  	_ =	shalt  }
0x70: {  	_ =	shalt  }
0x71: {  	_ =	shalt  }
0x72: {  	_ =	shalt  }
0x73: {  	_ =	shalt  }
0x74: {  	_ =	shalt  }
0x75: {  	_ =	shalt  }
0x76: {  	_ =	shalt  }
0x77: {  	_ =	shalt  }
0x78: {  	_ =	shalt  }
0x79: {  	_ =	shalt  }
0x7a: {  	_ =	shalt  }
0x7b: {  	_ =	shalt  }
0x7c: {  	_ =	shalt  }
0x7d: {  	_ =	shalt  }
0x7e: {  	_ =	shalt  }
0x7f: {  	_ =	shalt  }
0x80: {  	_ =	shalt  }
0x81: {  	_ =	shalt  }
0x82: {  	_ =	shalt  }
0x83: {  	_ =	shalt  }
0x84: {  	_ =	shalt  }
0x85: {  	_ =	shalt  }
0x86: {  	_ =	shalt  }
0x87: {  	_ =	shalt  }
.Lfunc_end0:
.L_simem_size_0:
called_computation.3_lowered:
.L_overlay_start_0:
0x88: {  	s2 =	sld [smem:$0x3FD9]  }
0x89: {  	s3 =	sld [smem:$0x3FFE];
	_ =	sdelay $0x1  }
0x8a: {  	s1 =	srdreg.scid  }
0x8b: {  	s0 =	sand.u32 $0x1, s1  }
0x8c: {  	s16 =	sshll.u32 s0, $0xA;
	s2 =	sadd.s32 s3, s2  }
0x8d: {  	s2 =	sadd.s32 s2, s16  }
0x8e: {  	[smem:$0x3FB6] =	sst s2  }
0x8f: {  	_ = 	snop  }
0x90: {  	(tm) =	ssettm $0x1  }
0x91: {  	s17 =	sld [smem:$0x3FFB];
	_ =	sdelay $0x3  }
0x92: {  	_ =	strace s17  }
0x93: {  	s2 =	sld [smem:$0x3FFC];
	_ =	sdelay $0x3  }
0x94: {  	_ =	strace s2  }
0x95: {  	s2 =	sld [smem:$0x3FFD];
	_ =	sdelay $0x3  }
0x96: {  	_ =	strace s2  }
0x97: {  	_ =	strace $0x8FFFFFFF  }
0x98: {  	s18 =	sld [smem:$0x3FDB];
	_ =	sdelay $0x1  }
0x99: {  	s19 =	simm.s32 $_scs_section_size  }
0x9a: {  	s4 =	simm.s32 $_size__tile_overlayer_lowered;
	s5 =	simm.s32 $_tile_overlayer_lowered  }
0x9b: {  	s22 =	simm.s32 $0x1BFF;
	s21 =	sshll.u32 s5, $0x1;
	s2 =	sadd.s32 s19, s18  }
0x9c: {  	s6 =	simm.s32 $0x0;
	s20 =	sshll.u32 s4, $0x1;
	s4 =	sadd.s32 s21, s2  }
0x9d: {  	[timem:s6], [sflag:s22] =	dma.local [hbm:s4], s20  }
0x9e: {  	_ =	swait.ge [sflag:s22], s20  }
0x9f: {  	s3 =	ssub.s32 $0x0, s20;
	[sflag:s22] =	ssyncset.done $0x0  }
0xa0: {  	[sflag:s22] =	ssyncadd.s32 s3;
	_ =	sdelay $0x1  }
0xa1: {  	s23 =	simm.s32 $0x1B8B  }
0xa2: {  	_ =	swait.ge [sflag:s23], $0x1  }
0xa3: {  	[sflag:s23] =	ssyncset.done $0x0  }
0xa4: {  	s25 =	simm.s32 $0x1B8E;
	s24 =	sld [smem:$0x3FFE];
	[sflag:s23] =	ssyncadd.s32 $0xFFFFFFFF  }
0xa5: {  	s26 =	simm.s32 $execute0_lowered;
	[smem:$0x3FD2] =	sst s25  }
0xa6: {  	s4 =	sshll.u32 s26, $0x1;
	_ =	strace $0x8000004F;
	[dreg:$0x1] =	wrdreg $0xFFFFFFFF  }
0xa7: {  	s28 =	simm.s32 $_size_execute0_lowered;
	s2 =	sadd.s32 s2, s4;
	[dreg:$0x0] =	wrdreg $0x0  }
0xa8: {  	s4 =	sshll.u32 s28, $0x1;
	[dreg:$0x2] =	wrdreg s2  }
0xa9: {  	[dreg:$0x3] =	wrdreg s4  }
0xaa: {  	[dreg:$0x4] =	wrdreg $0xC0  }
0xab: {  	_ =	task [dreg:s6], $0x5FFFF  }
0xac: {  	[dreg:$0x1] =	wrdreg $0xFFFFFFFF  }
0xad: {  	[dreg:$0x0] =	wrdreg $0x60  }
0xae: {  	[dreg:$0x2] =	wrdreg s24  }
0xaf: {  	[dreg:$0x3] =	wrdreg $0x82000  }
0xb0: {  	[dreg:$0x4] =	wrdreg $0x9  }
0xb1: {  	_ =	task.clear_ibuf [dreg:s6], $0x5FFFF;
	_ =	strace $0x9000004F  }
0xb2: {  	s29 =	simm.s32 $0x9;
	_ =	strace $0x80000051  }
0xb3: {  	_ =	swait.ge [sflag:s29], $0x1  }
0xb4: {  	[sflag:s29] =	ssyncadd.s32 $0xFFFFFFFF  }
0xb5: {  	_ =	strace $0x90000051  }
0xb6: {  	_ =	sfence  }
0xb7: {  	s30 =	sld [smem:$0x0];
	_ =	sdelay $0x2  }
0xb8: {  	s31 =	sshll.u32 s1, $0xD;
	s1 =	sshrl.u32 s1, $0x2  }
0xb9: {  	s3 =	sand.u32 $0x4000, s31;
	s1 =	sadd.s32 s1, s30  }
0xba: {  	s0 =	sor.u32 s3, s0;
	s1 =	sshll.u32 s1, $0x11  }
0xbb: {  	s0 =	sor.u32 s1, s0  }
0xbc: {  	s0 =	sadd.s32 $0x8F2B, s0  }
0xbd: {  	[sflag:s0] =	ssyncadd.remote.s32 $0x1  }
0xbe: {  	_ =	sfence.sel $0xFFFF  }
0xbf: {  	[dreg:$0x0] =	wrdreg $0xFFFFFFFF;
	(pc) =	sbr.abs _section_cstart, $3  }
0xc0: {  	[dreg:$0x1] =	wrdreg $0xFFFFFFFF  }
0xc1: {  	_ =	task.clear_ibuf [dreg:s6], $0x2FFFF;
	_ =	strace $0x9FFFFFFF  }
0xc2: {  	(tm) =	ssettm $0x7FFFFFFF  }
0xc3: {  	_ =	shalt  }
tec
execute0_lowered:
.L_overlay_start_1:
0x0: {  	(tag) =	ssettag $0x1  }
0x1: {  	s8 =	rddreg [dreg:$0x0]  }
0x2: {  	s2 =	rddreg [dreg:$0x1];
	s3 =	simm.s32 $0x0  }
0x3: {  	s4 =	srdreg.scid;
	s0 =	stileid.u32;
	s17 =	simm.s32 $0x5  }
0x4: {  	s18 =	simm.s32 $0x3;
	s20 =	simm.s32 $0x80;
	s22 =	simm.s32 $0x4  }
0x5: {  	s23 =	simm.s32 $0x4200;
	s28 =	simm.s32 $0x0;
	[smem:$0x7FF] =	sst s3  }
0x6: {  	s7 =	sand.u32 $0x1, s4;
	s9 =	smul.u32 $0x14000, s0;
	s4 =	sadd.s32 $0x6B200, s8  }
0x7: {  	s5 =	sadd.s32 $0x61200, s8;
	s6 =	sadd.s32 $0x4A00, s8;
	s11 =	smul.u32 $0x50000, s0  }
0x8: {  	s29 =	sshll.u32 s0, $0x6;
	_ =	strace $0x80000050;
	s12 =	sshll.u32 s7, $0x4  }
0x9: {  	s10 =	smul.u32 $0x140000, s7;
	s13 =	ssub.s32 $0x2, s7;
	s24 =	sor.u32 s0, s12  }
0xa: {  	s25 =	sshrl.u32 s13, $0x1;
	s11 =	sshrl.u32 s11, $0x2;
	s26 =	sshrl.u32 s9, $0x3  }
0xb: {  	s10 =	sadd.s32 s9, s10;
	s7 =	smul.u32 $0x2800, s24;
	s15 =	ssub.s32 s13, s25  }
0xc: {  	s16 =	sadd.s32 s11, s2;
	s9 =	sor.u32 $0x1C05, s29;
	s24 =	simm.s32 $0x1  }
.Ltmp0:
0xd: {  	s25 =	simm.s32 $0x2;
	s10 =	sshrl.u32 s10, $0x3;
	(pc) =	sbr.rel .LBB2_1-.Ltmp0, $4  }
0xe: {  	s15 =	smax.u32 s15, $0x1;
	s16 =	sshrl.u32 s16, $0x3;
	s14 =	sadd.s32 s10, s8  }
0xf: {  	s30 =	sshrl.u32 s7, $0x3;
	s8 =	sadd.s32 s4, s26;
	s26 =	simm.s32 $0x180  }
0x10: {  	s31 =	sor.u32 $0x10, s30;
	s10 =	sadd.s32 s5, s30;
	s11 =	sadd.s32 s6, s30  }
0x11: {  	s14 =	sadd.s32 $0x93200, s14;
	s12 =	sadd.s32 s5, s31;
	s13 =	sadd.s32 s6, s31  }
.LBB2_4:
0x12: {  	[spmem:s2] =	stream.indirect.scatter.add.f32 [tilespmem:s23], [sflag:$0x5], $0x80, s26, s20, $0xb8;
	[tilespmem:$0x1C200] =	vst v63  }
0x13: {  	_ =	swait.ge [sflag:s17], $0x4000  }
0x14: {  	s28 =	sadd.s32 $0x1, s28;
	[sflag:s17] =	ssyncset.done $0x0  }
0x15: {  	p0 =	sne.s32 s28, s15;
	[sflag:s17] =	ssyncadd.s32 $0xFFFFC000  }
.Ltmp1:
0x16: {  	[bflag:$0x0] =	sbarrier.arrive $0xFFFF;
	(pc) =	sbr.rel @!p0 .LBB2_5-.Ltmp1, $4  }
0x17: {  	[hbm:s14], [sflag:s9] =	dma.local [spmem:s16], $0x2800  }
0x18: {  	_ =	swait.ge [sflag:s17], $0x2800  }
0x19: {  	[sflag:s17] =	ssyncset.done $0x0  }
0x1a: {  	[sflag:s17] =	ssyncadd.s32 $0xFFFFD800  }
.LBB2_1:
0x1b: {  	[spmem:s16], [sflag:s9] =	dma.local [hbm:s8], $0x2800  }
0x1c: {  	_ =	swait.ge [sflag:s17], $0x2800  }
0x1d: {  	[sflag:s17] =	ssyncset.done $0x0  }
0x1e: {  	[sflag:s17] =	ssyncadd.s32 $0xFFFFD800  }
0x1f: {  	[bflag:$0x0] =	sbarrier.arrive $0xFFFF  }
0x20: {  	[tilespmem:s3], [sflag:$0x3] =	stream.linear.gather [hbm4b:s10+s3], $0x80, $0x38;
	[tilespmem:$0x1C200] =	vst v63  }
0x21: {  	_ =	swait.ge [sflag:s18], $0x80  }
0x22: {  	[sflag:s18] =	ssyncset.done $0x0  }
0x23: {  	s0 =	simm.s32 $0x100;
	[sflag:s18] =	ssyncadd.s32 $0xFFFFFF80  }
0x24: {  	[tilespmem:s0], [sflag:$0x3] =	stream.linear.gather [hbm4b:s11+s3], $0x80, $0x38;
	[tilespmem:$0x1C200] =	vst v63  }
0x25: {  	s31 =	simm.s32 $0x200  }
0x26: {  	[tilespmem:s31], [sflag:$0x1] =	stream.indirect.gather [hbm4b:s4+s20], $0x80, s3, s20, $0xb8;
	[tilespmem:$0x1C200] =	vst v63  }
0x27: {  	_ = 	snop  }
0x28: {  	[tilespmem:s20], [sflag:$0x4] =	stream.linear.gather [hbm4b:s12+s3], $0x80, $0x38;
	[tilespmem:$0x1C200] =	vst v63  }
0x29: {  	_ =	swait.ge [sflag:s22], $0x80  }
0x2a: {  	[sflag:s22] =	ssyncset.done $0x0  }
0x2b: {  	[sflag:s22] =	ssyncadd.s32 $0xFFFFFF80  }
0x2c: {  	[tilespmem:s26], [sflag:$0x4] =	stream.linear.gather [hbm4b:s13+s3], $0x80, $0x38;
	[tilespmem:$0x1C200] =	vst v63  }
0x2d: {  	s29 =	simm.s32 $0x180  }
0x2e: {  	[tilespmem:s23], [sflag:$0x2] =	stream.indirect.gather [hbm4b:s4+s20], $0x80, s20, s20, $0xb8;
	[tilespmem:$0x1C200] =	vst v63  }
.LBB2_2:
0x2f: {  	_ =	swait.ge [sflag:s24], $0x4000  }
0x30: {  	[sflag:s24] =	ssyncset.done $0x0  }
0x31: {  	[sflag:s24] =	ssyncadd.s32 $0xFFFFC000  }
0x32: {  	p0 =	seq.s32 s29, $0x2880;
	_ =	swait.ge [sflag:s18], $0x80  }
0x33: {  	s30 =	simm.s32 @p0 $0x80;
	[sflag:s18] =	ssyncset.done $0x0  }
0x34: {  	s31 =	simm.s32 @p0 $0x100;
	s0 =	simm.s32 @p0 $0x200;
	[sflag:s18] =	ssyncadd.s32 $0xFFFFFF80  }
0x35: {  	[spmem:s2] =	stream.indirect.scatter.add.f32 @p0 [tilespmem:s0], [sflag:$0x5], $0x80, s31, s30, $0xb8;
	[tilespmem:$0x1C200] =	vst v63  }
0x36: {  	s0 =	sadd.s32 @!p0 $0xFFFFFF80, s29  }
0x37: {  	s30 =	sand.u32 @!p0 $0x7C00, s0  }
0x38: {  	s31 =	simm.s32 @p0 $0x5;
	s0 =	sand.u32 @!p0 $0x300, s0;
	s30 =	sadd.s32 @!p0 s7, s30  }
0x39: {  	_ =	swait.ge @p0 [sflag:s31], $0x4000;
	s0 =	sor.u32 @!p0 s0, s30  }
0x3a: {  	s1 =	simm.s32 @!p0 $0x100;
	[sflag:s31] =	ssyncset.done @p0 $0x0;
	s0 =	sshrl.u32 @!p0 s0, $0x3  }
0x3b: {  	[sflag:s31] =	ssyncadd.s32 @p0 $0xFFFFC000;
	s31 =	simm.s32 @!p0 $0x0;
	s30 =	sadd.s32 @!p0 s5, s0  }
0x3c: {  	[tilespmem:s31], [sflag:$0x3] =	stream.linear.gather @!p0 [hbm4b:s30+s31], $0x80, $0x38;
	[tilespmem:$0x1C200] =	vst v63  }
0x3d: {  	s19 =	simm.s32 @!p0 $0x200;
	s21 =	simm.s32 @!p0 $0x5;
	s30 =	simm.s32 @!p0 $0x80  }
0x3e: {  	[spmem:s2] =	stream.indirect.scatter.add.f32 @!p0 [tilespmem:s19], [sflag:$0x5], $0x80, s1, s30, $0xb8;
	[tilespmem:$0x1C200] =	vst v63  }
0x3f: {  	_ =	swait.ge @!p0 [sflag:s21], $0x4000  }
0x40: {  	[sflag:s21] =	ssyncset.done @!p0 $0x0  }
0x41: {  	[sflag:s21] =	ssyncadd.s32 @!p0 $0xFFFFC000;
	s21 =	simm.s32 @!p0 $0x3  }
0x42: {  	_ =	swait.ge @!p0 [sflag:s21], $0x80  }
0x43: {  	[sflag:s21] =	ssyncset.done @!p0 $0x0  }
0x44: {  	s0 =	sadd.s32 @!p0 s6, s0;
	[sflag:s21] =	ssyncadd.s32 @!p0 $0xFFFFFF80  }
0x45: {  	[tilespmem:s1], [sflag:$0x3] =	stream.linear.gather @!p0 [hbm4b:s0+s31], $0x80, $0x38;
	[tilespmem:$0x1C200] =	vst v63  }
0x46: {  	_ = 	snop  }
0x47: {  	[tilespmem:s19], [sflag:$0x1] =	stream.indirect.gather @!p0 [hbm4b:s4+s30], $0x80, s31, s30, $0xb8;
	[tilespmem:$0x1C200] =	vst v63  }
0x48: {  	_ =	swait.ge [sflag:s25], $0x4000  }
.Ltmp2:
0x49: {  	[sflag:s25] =	ssyncset.done $0x0;
	(pc) =	sbr.rel @p0 .LBB2_4-.Ltmp2, $4  }
0x4a: {  	[sflag:s25] =	ssyncadd.s32 $0xFFFFC000  }
0x4b: {  	_ =	swait.ge [sflag:s22], $0x80  }
0x4c: {  	[sflag:s22] =	ssyncset.done $0x0  }
0x4d: {  	[sflag:s22] =	ssyncadd.s32 $0xFFFFFF80  }
0x4e: {  	s0 =	sand.u32 $0x7C00, s29  }
0x4f: {  	s1 =	sand.u32 $0x380, s29;
	s0 =	sadd.s32 s7, s0  }
0x50: {  	s0 =	sor.u32 s1, s0  }
0x51: {  	s0 =	sshrl.u32 s0, $0x3  }
0x52: {  	s31 =	sadd.s32 s5, s0  }
0x53: {  	[tilespmem:s20], [sflag:$0x4] =	stream.linear.gather [hbm4b:s31+s3], $0x80, $0x38;
	[tilespmem:$0x1C200] =	vst v63  }
0x54: {  	_ = 	snop  }
0x55: {  	[spmem:s2] =	stream.indirect.scatter.add.f32 [tilespmem:s23], [sflag:$0x5], $0x80, s26, s20, $0xb8;
	[tilespmem:$0x1C200] =	vst v63  }
0x56: {  	_ =	swait.ge [sflag:s17], $0x4000  }
0x57: {  	[sflag:s17] =	ssyncset.done $0x0  }
0x58: {  	[sflag:s17] =	ssyncadd.s32 $0xFFFFC000  }
0x59: {  	_ =	swait.ge [sflag:s22], $0x80  }
.Ltmp3:
0x5a: {  	[sflag:s22] =	ssyncset.done $0x0;
	(pc) =	sbr.rel .LBB2_2-.Ltmp3, $4  }
0x5b: {  	s0 =	sadd.s32 s6, s0;
	[sflag:s22] =	ssyncadd.s32 $0xFFFFFF80  }
0x5c: {  	[tilespmem:s26], [sflag:$0x4] =	stream.linear.gather [hbm4b:s0+s3], $0x80, $0x38;
	[tilespmem:$0x1C200] =	vst v63  }
0x5d: {  	s29 =	sadd.s32 $0x100, s29  }
0x5e: {  	[tilespmem:s23], [sflag:$0x2] =	stream.indirect.gather [hbm4b:s4+s20], $0x80, s20, s20, $0xb8;
	[tilespmem:$0x1C200] =	vst v63  }
.LBB2_5:
0x5f: {  	_ =	sfence.sel $0x180000  }
0x60: {  	[bflag:$0x0] =	sbarrier.arrive $0xFFFF  }
0x61: {  	_ =	strace $0x90000050  }
0x62: {  	s0 =	stileid.u32;
	[bflag:$0x2] =	sbarrier.arrive $0xFFFF  }
0x63: {  	p0 =	sne.s32 s0, $0x0;
	s0 =	rddreg [dreg:$0x2]  }
0x64: {  	s0 =	sadd.s32 @!p0 $0x100000, s0  }
0x65: {  	[sflag:s0] =	ssyncadd.tile.s32 @!p0 $0x1;
	_ =	shalt  }
.Lfunc_end2:
_tile_overlayer_lowered:
.L_overlay_start_2:
0x66: {  	(tag) =	ssettag $0x2  }
0x67: {  	s0 =	rddreg [dreg:$0x0];
	s2 =	stileid.u32  }
0x68: {  	s1 =	rddreg [dreg:$0x1];
	p0 =	sne.s32 s2, $0x0  }
0x69: {  	s3 =	rddreg [dreg:$0x2];
	[bflag:$0x3] =	sbarrier.arrive $0xFFFF;
	s2 =	simm.s32 @!p0 $0x1C05  }
0x6a: {  	[timem:s3], [sflag:s2] =	dma.local @!p0 [hbm:s0], s1  }
0x6b: {  	s0 =	simm.s32 @!p0 $0x5  }
0x6c: {  	_ =	swait.ge @!p0 [sflag:s0], s1  }
0x6d: {  	s1 =	ssub.s32 @!p0 $0x0, s1;
	[sflag:s0] =	ssyncset.done @!p0 $0x0  }
0x6e: {  	[sflag:s0] =	ssyncadd.s32 @!p0 s1  }
0x6f: {  	[bflag:$0x3] =	sbarrier.arrive $0xFFFF  }
0x70: {  	_ =	shalt  }

</sc_bundles>
